<compile_context>
chip_gen: v7x
topology: tpu7x:2x2x1
jax: 0.10.2.dev20260603
libtpu: 0.0.44.dev20260713+nightly
codegen_flags: <defaults>
</compile_context>

<pallas_src>
import jax
import jax.numpy as jnp
import numpy as np
from jax import lax
from jax.experimental import pallas as pl
from jax.experimental.pallas import tpu as pltpu
from jax.experimental.pallas import tpu_sc as plsc

N = 10000
LMAX = 3
NCOMP = (LMAX + 1) ** 2
C = 96
CP = 128
E = 16
PATH_WEIGHT = 1.0 / np.sqrt(C)

RB = 1000
NRB = N // RB
GB = 256
S_MAX = 56
NS = S_MAX * GB

NC2 = NCOMP // 2
NW = 32
PER_W = 312
SCH = 104
GCH = 104


def _route_a_body(y_ref, rank_ref, poff_ref, bexp_ref, carry):
    i = pl.program_id(0)

    @pl.when(i == 0)
    def _():
        carry[...] = jnp.zeros_like(carry)

    y = y_ref[...]
    incl = y
    k = 1
    while k < RB:
        shifted = jnp.concatenate(
            [jnp.zeros((k, E), jnp.float32), incl[: RB - k, :]], axis=0)
        incl = incl + shifted
        k *= 2
    excl = incl - y
    c = carry[0:1, :E]
    rank_m = y * (excl + c)
    rank_ref[...] = rank_m.reshape(1, RB, E)
    new_c = c + incl[RB - 1 : RB, :]
    carry[0:1, :E] = new_c

    @pl.when(i == NRB - 1)
    def _():
        cnt = new_c
        nblk = jnp.floor((cnt + (GB - 1)) * (1.0 / GB))
        b = nblk
        kk = 1
        while kk < E:
            b = b + jnp.concatenate(
                [jnp.zeros((1, kk), jnp.float32), b[:, : E - kk]], axis=1)
            kk *= 2
        bstart = b - nblk
        poff_ref[...] = jnp.pad(bstart * GB, ((0, 0), (0, 128 - E)))
        lane16 = lax.broadcasted_iota(jnp.int32, (1, E), 1).astype(jnp.float32)
        t_iota = lax.broadcasted_iota(jnp.int32, (1, 128), 1).astype(jnp.float32)
        acc = -jnp.ones((1, 128), jnp.float32)
        for e in range(E):
            se = jnp.sum(jnp.where(lane16 == float(e), bstart, 0.0),
                         axis=1, keepdims=True)
            acc = acc + (t_iota >= se).astype(jnp.float32)
        bexp_ref[...] = jnp.clip(acc, 0, E - 1).astype(jnp.int32)


def _route_a(y):
    return pl.pallas_call(
        _route_a_body,
        grid=(NRB,),
        in_specs=[pl.BlockSpec((RB, E), lambda i: (i, 0))],
        out_specs=[
            pl.BlockSpec((1, RB, E), lambda i: (i, 0, 0)),
            pl.BlockSpec((1, 128), lambda i: (0, 0)),
            pl.BlockSpec((1, 128), lambda i: (0, 0)),
        ],
        out_shape=[
            jax.ShapeDtypeStruct((NRB, RB, E), jnp.float32),
            jax.ShapeDtypeStruct((1, 128), jnp.float32),
            jax.ShapeDtypeStruct((1, 128), jnp.int32),
        ],
        scratch_shapes=[pltpu.VMEM((8, 128), jnp.float32)],
    )(y)


def _wprep_body(w0_ref, w1_ref, w2_ref, w3_ref, wg_ref):
    parts = []
    for r in (w0_ref, w1_ref, w2_ref, w3_ref):
        wl = r[...] * PATH_WEIGHT
        parts.append(jnp.pad(wl, ((0, 0), (0, 0), (0, 128 - C))))
    wg = jnp.concatenate(parts, axis=2)
    wg = jnp.pad(wg, ((0, 0), (0, CP - C), (0, 0)))
    wg_ref[...] = wg.astype(jnp.bfloat16)


def _wprep(W0, W1, W2, W3):
    spec = pl.BlockSpec((E, C, C), lambda: (0, 0, 0))
    return pl.pallas_call(
        _wprep_body,
        in_specs=[spec, spec, spec, spec],
        out_specs=pl.BlockSpec((E, CP, 4 * 128), lambda: (0, 0, 0)),
        out_shape=jax.ShapeDtypeStruct((E, CP, 4 * 128), jnp.bfloat16),
    )(W0, W1, W2, W3)


def _route_b_body(y_ref, rank_ref, poff_ref, x_ref, pos_ref, xp_ref):
    y = y_ref[...]
    rm = rank_ref[...].reshape(RB, E)
    poff = poff_ref[0:1, :E]
    v = rm + y * poff
    s = jnp.sum(v, axis=1)
    pos_ref[...] = s.astype(jnp.int32).reshape(1, 1, RB)
    xb = x_ref[...].astype(jnp.bfloat16)
    xp = jnp.pad(xb, ((0, 0), (0, 0), (0, CP - C)))
    xp_ref[...] = pltpu.bitcast(xp, jnp.int32)


def _route_b(y, rank_m, poff_f, x):
    return pl.pallas_call(
        _route_b_body,
        grid=(NRB,),
        in_specs=[
            pl.BlockSpec((RB, E), lambda i: (i, 0)),
            pl.BlockSpec((1, RB, E), lambda i: (i, 0, 0)),
            pl.BlockSpec((1, 128), lambda i: (0, 0)),
            pl.BlockSpec((RB, NCOMP, C), lambda i: (i, 0, 0)),
        ],
        out_specs=[
            pl.BlockSpec((1, 1, RB), lambda i: (i, 0, 0)),
            pl.BlockSpec((RB, NC2, CP), lambda i: (i, 0, 0)),
        ],
        out_shape=[
            jax.ShapeDtypeStruct((NRB, 1, RB), jnp.int32),
            jax.ShapeDtypeStruct((N, NC2, CP), jnp.int32),
        ],
    )(y, rank_m, poff_f, x)


def _sc_mesh():
    return plsc.VectorSubcoreMesh(core_axis_name="c", subcore_axis_name="s")


def _scatter_body(rows_hbm, pos_hbm, out_hbm, idx_v, rows_v, idx8_v, rows8_v, sem):
    wid = lax.axis_index("s") * 2 + lax.axis_index("c")
    base = wid * PER_W
    for j in range(PER_W // SCH):
        b = base + j * SCH
        pltpu.sync_copy(pos_hbm.at[pl.ds(b, SCH)], idx_v)
        pltpu.sync_copy(rows_hbm.at[pl.ds(b, SCH)], rows_v)
        pltpu.async_copy(rows_v, out_hbm.at[idx_v], sem).wait()

    @pl.when(wid < 2)
    def _():
        b = NW * PER_W + wid * 8
        pltpu.sync_copy(pos_hbm.at[pl.ds(b, 8)], idx8_v)
        pltpu.sync_copy(rows_hbm.at[pl.ds(b, 8)], rows8_v)
        pltpu.async_copy(rows8_v, out_hbm.at[idx8_v], sem).wait()


def _sc_scatter(rows, pos):
    return pl.kernel(
        _scatter_body,
        mesh=_sc_mesh(),
        out_type=jax.ShapeDtypeStruct((NS, NC2, CP), jnp.int32),
        scratch_types=[
            pltpu.VMEM((SCH,), jnp.int32),
            pltpu.VMEM((SCH, NC2, CP), jnp.int32),
            pltpu.VMEM((8,), jnp.int32),
            pltpu.VMEM((8, NC2, CP), jnp.int32),
            pltpu.SemaphoreType.DMA,
        ],
    )(rows, pos)


def _gather_body(rows_hbm, pos_hbm, out_hbm, idx_v, rows_v, idx8_v, rows8_v, sem):
    wid = lax.axis_index("s") * 2 + lax.axis_index("c")
    base = wid * PER_W
    for j in range(PER_W // GCH):
        b = base + j * GCH
        pltpu.sync_copy(pos_hbm.at[pl.ds(b, GCH)], idx_v)
        pltpu.async_copy(rows_hbm.at[idx_v], rows_v, sem).wait()
        pltpu.sync_copy(rows_v, out_hbm.at[pl.ds(b, GCH)])

    @pl.when(wid < 2)
    def _():
        b = NW * PER_W + wid * 8
        pltpu.sync_copy(pos_hbm.at[pl.ds(b, 8)], idx8_v)
        pltpu.async_copy(rows_hbm.at[idx8_v], rows8_v, sem).wait()
        pltpu.sync_copy(rows8_v, out_hbm.at[pl.ds(b, 8)])


def _sc_gather(rows, pos):
    return pl.kernel(
        _gather_body,
        mesh=_sc_mesh(),
        out_type=jax.ShapeDtypeStruct((N, NC2, CP), jnp.int32),
        scratch_types=[
            pltpu.VMEM((GCH,), jnp.int32),
            pltpu.VMEM((GCH, NC2, CP), jnp.int32),
            pltpu.VMEM((8,), jnp.int32),
            pltpu.VMEM((8, NC2, CP), jnp.int32),
            pltpu.SemaphoreType.DMA,
        ],
    )(rows, pos)


def _mm_body(be_ref, x_ref, w_ref, o_ref):
    xb = pltpu.bitcast(x_ref[...], jnp.bfloat16)
    x2 = xb.reshape(GB * NCOMP, CP)
    t = jnp.dot(x2, w_ref[0], preferred_element_type=jnp.float32)
    t3 = t.reshape(GB, NCOMP, 4 * 128)
    parts = []
    for l in range(LMAX + 1):
        s = l * l
        w = 2 * l + 1
        parts.append(t3[:, s : s + w, l * 128 : l * 128 + C])
    ob = jnp.concatenate(parts, axis=1)
    ob = jnp.pad(ob, ((0, 0), (0, 0), (0, CP - C))).astype(jnp.bfloat16)
    o_ref[...] = pltpu.bitcast(ob, jnp.int32)


def _grouped_mm(xs_rows, wg, block_expert):
    grid_spec = pltpu.PrefetchScalarGridSpec(
        num_scalar_prefetch=1,
        grid=(S_MAX,),
        in_specs=[
            pl.BlockSpec((GB, NC2, CP), lambda i, be: (i, 0, 0)),
            pl.BlockSpec((1, CP, 4 * 128), lambda i, be: (be[i], 0, 0)),
        ],
        out_specs=pl.BlockSpec((GB, NC2, CP), lambda i, be: (i, 0, 0)),
    )
    return pl.pallas_call(
        _mm_body,
        grid_spec=grid_spec,
        out_shape=jax.ShapeDtypeStruct((NS, NC2, CP), jnp.int32),
    )(block_expert, xs_rows, wg)


def _slice_body(x_ref, o_ref):
    xb = pltpu.bitcast(x_ref[...], jnp.bfloat16)
    o_ref[...] = xb[:, :, :C].astype(jnp.float32)


def _final_slice(outp):
    return pl.pallas_call(
        _slice_body,
        grid=(NRB,),
        in_specs=[pl.BlockSpec((RB, NC2, CP), lambda i: (i, 0, 0))],
        out_specs=pl.BlockSpec((RB, NCOMP, C), lambda i: (i, 0, 0)),
        out_shape=jax.ShapeDtypeStruct((N, NCOMP, C), jnp.float32),
    )(outp)


@jax.jit
def kernel(x, y, W0, W1, W2, W3):
    Wg = _wprep(W0, W1, W2, W3)
    rank_m, poff_f, bexp = _route_a(y)
    block_expert = bexp.reshape(128)
    pos3, xpad = _route_b(y, rank_m, poff_f, x)
    pos = pos3.reshape(N)

    xs = _sc_scatter(xpad, pos)
    xso = _grouped_mm(xs, Wg, block_expert)
    outp = _sc_gather(xso, pos)
    return _final_slice(outp)

# --- scband reference (transcript-rebuilt; emitter-appended) ---
"""Pipeline reference for scband-linear-element-ref-78323023610112 (READ-ONLY COPY).

The authoritative reference and input builder live on the scoring server;
editing this copy changes nothing except your own understanding.
"""

import jax, jax.numpy as jnp
import numpy as np

N = 10000
LMAX = 3
NCOMP = (LMAX + 1) ** 2
C = 96
E = 16
PATH_WEIGHT = 1.0 / np.sqrt(C)


def setup_inputs(seed: int = 0) -> dict:
    key = jax.random.key(seed)
    ks = jax.random.split(key, 6)
    x = jax.random.normal(ks[0], (N, NCOMP, C), dtype=jnp.float32)
    elem_idx = jax.random.randint(ks[1], (N,), 0, E)
    y = jax.nn.one_hot(elem_idx, E, dtype=jnp.float32)
    W0 = jax.random.normal(ks[2], (E, C, C), dtype=jnp.float32)
    W1 = jax.random.normal(ks[3], (E, C, C), dtype=jnp.float32)
    W2 = jax.random.normal(ks[4], (E, C, C), dtype=jnp.float32)
    W3 = jax.random.normal(ks[5], (E, C, C), dtype=jnp.float32)
    return {"x": x, "y": y, "W0": W0, "W1": W1, "W2": W2, "W3": W3}


def reference(x, y, W0, W1, W2, W3):
    # y is a one-hot element (species) indicator: route each node to its
    # element-specific linear weights, exactly like the torch masked loop.
    elem = jnp.argmax(y, axis=-1)  # [N] int routing indices
    has_elem = (jnp.sum(y, axis=-1) > 0.5).astype(x.dtype)[:, None, None]
    Ws = [W0, W1, W2, W3]
    out = jnp.zeros((x.shape[0], NCOMP, C), dtype=x.dtype)
    for l in range(LMAX + 1):
        s = l * l
        e = s + 2 * l + 1
        # gather per-node expert weight matrix [N, C, C]
        W_node = jnp.take(Ws[l], elem, axis=0)
        seg = jnp.einsum('nmc,ncd->nmd', x[:, s:e, :], W_node)
        out = out.at[:, s:e, :].add(PATH_WEIGHT * seg)
    # nodes with no element set stay zero (matches torch behavior)
    return out * has_elem

if __name__ == "__main__":
    import jax
    _d = setup_inputs()
    print(jax.jit(kernel)(*tuple(_d.values())))

</pallas_src>

<mosaic_0001>
#map = affine_map<(d0, d1) -> (0, 0, 0)>
#map1 = affine_map<(d0, d1) -> (0)>
module attributes {stable_mosaic.version = 14 : i64} {
  func.func @_gather_body(%arg0: i32, %arg1: i32, %arg2: memref<14336x8x128xi32, #tpu.memory_space<hbm>>, %arg3: memref<10000xi32, #tpu.memory_space<hbm>>, %arg4: memref<10000x8x128xi32, #tpu.memory_space<hbm>>, %arg5: memref<104xi32, #tpu.memory_space<vmem>>, %arg6: memref<104x8x128xi32, #tpu.memory_space<vmem>>, %arg7: memref<8xi32, #tpu.memory_space<vmem>>, %arg8: memref<8x8x128xi32, #tpu.memory_space<vmem>>, %arg9: memref<!tpu.dma_semaphore, #tpu.memory_space<semaphore_mem>>) attributes {dimension_semantics = [#tpu.dimension_semantics<core_parallel>, #tpu.dimension_semantics<subcore_parallel>], iteration_bounds = array<i64: 2, 16>, scalar_prefetch = 0 : i64, scratch_operands = 5 : i64, tpu.core_type = #tpu.core_type<sc_vector_subcore>, window_params = [{transform_indices = #map}, {transform_indices = #map1}, {transform_indices = #map}]} {
    %mul3A = arith.constant 2 : i32
    %mul3A_0 = arith.muli %arg1, %mul3A : i32
    %add3A = arith.addi %mul3A_0, %arg0 : i32
    %mul3A_1 = arith.constant 312 : i32
    %mul3A_2 = arith.muli %add3A, %mul3A_1 : i32
    %add3A_3 = arith.constant 0 : i32
    %add3A_4 = arith.addi %mul3A_2, %add3A_3 : i32
    "tpu.region"() ({
      %run_scoped3A = tpu.sem_alloc : memref<!tpu.dma_semaphore, #tpu.memory_space<semaphore_mem>>
      %dma_start3A_33 = tpu.memref_slice %arg3[%add3A_4] : memref<10000xi32, #tpu.memory_space<hbm>> -> memref<104xi32, #tpu.memory_space<hbm>>
      %dma_start3A_34 = tpu.memref_slice %arg3[%add3A_4] : memref<10000xi32, #tpu.memory_space<hbm>> -> memref<104xi32, #tpu.memory_space<hbm>>
      tpu.enqueue_dma source(%dma_start3A_34 : memref<104xi32, #tpu.memory_space<hbm>>) target(%arg5 : memref<104xi32, #tpu.memory_space<vmem>>) target_semaphore(%run_scoped3A : memref<!tpu.dma_semaphore, #tpu.memory_space<semaphore_mem>>)
      %dma_wait3A_35 = tpu.memref_slice %arg3[%add3A_4] : memref<10000xi32, #tpu.memory_space<hbm>> -> memref<104xi32, #tpu.memory_space<hbm>>
      %dma_wait3A_36 = tpu.memref_slice %arg3[%add3A_4] : memref<10000xi32, #tpu.memory_space<hbm>> -> memref<104xi32, #tpu.memory_space<hbm>>
      tpu.wait_dma2 semaphore(%run_scoped3A : memref<!tpu.dma_semaphore, #tpu.memory_space<semaphore_mem>>) src(%dma_wait3A_36 : memref<104xi32, #tpu.memory_space<hbm>>) dst(%arg5 : memref<104xi32, #tpu.memory_space<vmem>>)
      tpu.yield
    }) : () -> ()
    %dma_start3A = arith.constant 0 : i32
    %dma_start3A_5 = arith.constant 0 : i32
    %dma_start3A_6 = arith.constant 0 : i32
    %dma_start3A_7 = tpu.memref_slice %arg2[%dma_start3A, %dma_start3A_5, %dma_start3A_6] : memref<14336x8x128xi32, #tpu.memory_space<hbm>> -> memref<14336x8x128xi32, #tpu.memory_space<hbm>>
    tpu.enqueue_indirect_dma source(%dma_start3A_7 : memref<14336x8x128xi32, #tpu.memory_space<hbm>>) target(%arg6 : memref<104x8x128xi32, #tpu.memory_space<vmem>>) offsets(%arg5 : memref<104xi32, #tpu.memory_space<vmem>>) semaphore(%arg9 : memref<!tpu.dma_semaphore, #tpu.memory_space<semaphore_mem>>)
    %dma_wait3A = arith.constant 0 : i32
    %dma_wait3A_8 = arith.constant 0 : i32
    %dma_wait3A_9 = arith.constant 0 : i32
    %dma_wait3A_10 = tpu.memref_slice %arg2[%dma_wait3A, %dma_wait3A_8, %dma_wait3A_9] : memref<14336x8x128xi32, #tpu.memory_space<hbm>> -> memref<14336x8x128xi32, #tpu.memory_space<hbm>>
    tpu.wait_indirect_dma semaphore(%arg9 : memref<!tpu.dma_semaphore, #tpu.memory_space<semaphore_mem>>) src(%dma_wait3A_10 : memref<14336x8x128xi32, #tpu.memory_space<hbm>>) dst(%arg6 : memref<104x8x128xi32, #tpu.memory_space<vmem>>)
    "tpu.region"() ({
      %run_scoped3A = tpu.sem_alloc : memref<!tpu.dma_semaphore, #tpu.memory_space<semaphore_mem>>
      %dma_start3A_33 = arith.constant 0 : i32
      %dma_start3A_34 = arith.constant 0 : i32
      %dma_start3A_35 = tpu.memref_slice %arg4[%add3A_4, %dma_start3A_33, %dma_start3A_34] : memref<10000x8x128xi32, #tpu.memory_space<hbm>> -> memref<104x8x128xi32, #tpu.memory_space<hbm>>
      %dma_start3A_36 = arith.constant 0 : i32
      %dma_start3A_37 = arith.constant 0 : i32
      %dma_start3A_38 = tpu.memref_slice %arg4[%add3A_4, %dma_start3A_36, %dma_start3A_37] : memref<10000x8x128xi32, #tpu.memory_space<hbm>> -> memref<104x8x128xi32, #tpu.memory_space<hbm>>
      tpu.enqueue_dma source(%arg6 : memref<104x8x128xi32, #tpu.memory_space<vmem>>) target(%dma_start3A_38 : memref<104x8x128xi32, #tpu.memory_space<hbm>>) target_semaphore(%run_scoped3A : memref<!tpu.dma_semaphore, #tpu.memory_space<semaphore_mem>>)
      %dma_wait3A_39 = arith.constant 0 : i32
      %dma_wait3A_40 = arith.constant 0 : i32
      %dma_wait3A_41 = tpu.memref_slice %arg4[%add3A_4, %dma_wait3A_39, %dma_wait3A_40] : memref<10000x8x128xi32, #tpu.memory_space<hbm>> -> memref<104x8x128xi32, #tpu.memory_space<hbm>>
      %dma_wait3A_42 = arith.constant 0 : i32
      %dma_wait3A_43 = arith.constant 0 : i32
      %dma_wait3A_44 = tpu.memref_slice %arg4[%add3A_4, %dma_wait3A_42, %dma_wait3A_43] : memref<10000x8x128xi32, #tpu.memory_space<hbm>> -> memref<104x8x128xi32, #tpu.memory_space<hbm>>
      tpu.wait_dma2 semaphore(%run_scoped3A : memref<!tpu.dma_semaphore, #tpu.memory_space<semaphore_mem>>) src(%arg6 : memref<104x8x128xi32, #tpu.memory_space<vmem>>) dst(%dma_wait3A_44 : memref<104x8x128xi32, #tpu.memory_space<hbm>>)
      tpu.yield
    }) : () -> ()
    %add3A_11 = arith.constant 104 : i32
    %add3A_12 = arith.addi %mul3A_2, %add3A_11 : i32
    "tpu.region"() ({
      %run_scoped3A = tpu.sem_alloc : memref<!tpu.dma_semaphore, #tpu.memory_space<semaphore_mem>>
      %dma_start3A_33 = tpu.memref_slice %arg3[%add3A_12] : memref<10000xi32, #tpu.memory_space<hbm>> -> memref<104xi32, #tpu.memory_space<hbm>>
      %dma_start3A_34 = tpu.memref_slice %arg3[%add3A_12] : memref<10000xi32, #tpu.memory_space<hbm>> -> memref<104xi32, #tpu.memory_space<hbm>>
      tpu.enqueue_dma source(%dma_start3A_34 : memref<104xi32, #tpu.memory_space<hbm>>) target(%arg5 : memref<104xi32, #tpu.memory_space<vmem>>) target_semaphore(%run_scoped3A : memref<!tpu.dma_semaphore, #tpu.memory_space<semaphore_mem>>)
      %dma_wait3A_35 = tpu.memref_slice %arg3[%add3A_12] : memref<10000xi32, #tpu.memory_space<hbm>> -> memref<104xi32, #tpu.memory_space<hbm>>
      %dma_wait3A_36 = tpu.memref_slice %arg3[%add3A_12] : memref<10000xi32, #tpu.memory_space<hbm>> -> memref<104xi32, #tpu.memory_space<hbm>>
      tpu.wait_dma2 semaphore(%run_scoped3A : memref<!tpu.dma_semaphore, #tpu.memory_space<semaphore_mem>>) src(%dma_wait3A_36 : memref<104xi32, #tpu.memory_space<hbm>>) dst(%arg5 : memref<104xi32, #tpu.memory_space<vmem>>)
      tpu.yield
    }) : () -> ()
    %dma_start3A_13 = arith.constant 0 : i32
    %dma_start3A_14 = arith.constant 0 : i32
    %dma_start3A_15 = arith.constant 0 : i32
    %dma_start3A_16 = tpu.memref_slice %arg2[%dma_start3A_13, %dma_start3A_14, %dma_start3A_15] : memref<14336x8x128xi32, #tpu.memory_space<hbm>> -> memref<14336x8x128xi32, #tpu.memory_space<hbm>>
    tpu.enqueue_indirect_dma source(%dma_start3A_16 : memref<14336x8x128xi32, #tpu.memory_space<hbm>>) target(%arg6 : memref<104x8x128xi32, #tpu.memory_space<vmem>>) offsets(%arg5 : memref<104xi32, #tpu.memory_space<vmem>>) semaphore(%arg9 : memref<!tpu.dma_semaphore, #tpu.memory_space<semaphore_mem>>)
    %dma_wait3A_17 = arith.constant 0 : i32
    %dma_wait3A_18 = arith.constant 0 : i32
    %dma_wait3A_19 = arith.constant 0 : i32
    %dma_wait3A_20 = tpu.memref_slice %arg2[%dma_wait3A_17, %dma_wait3A_18, %dma_wait3A_19] : memref<14336x8x128xi32, #tpu.memory_space<hbm>> -> memref<14336x8x128xi32, #tpu.memory_space<hbm>>
    tpu.wait_indirect_dma semaphore(%arg9 : memref<!tpu.dma_semaphore, #tpu.memory_space<semaphore_mem>>) src(%dma_wait3A_20 : memref<14336x8x128xi32, #tpu.memory_space<hbm>>) dst(%arg6 : memref<104x8x128xi32, #tpu.memory_space<vmem>>)
    "tpu.region"() ({
      %run_scoped3A = tpu.sem_alloc : memref<!tpu.dma_semaphore, #tpu.memory_space<semaphore_mem>>
      %dma_start3A_33 = arith.constant 0 : i32
      %dma_start3A_34 = arith.constant 0 : i32
      %dma_start3A_35 = tpu.memref_slice %arg4[%add3A_12, %dma_start3A_33, %dma_start3A_34] : memref<10000x8x128xi32, #tpu.memory_space<hbm>> -> memref<104x8x128xi32, #tpu.memory_space<hbm>>
      %dma_start3A_36 = arith.constant 0 : i32
      %dma_start3A_37 = arith.constant 0 : i32
      %dma_start3A_38 = tpu.memref_slice %arg4[%add3A_12, %dma_start3A_36, %dma_start3A_37] : memref<10000x8x128xi32, #tpu.memory_space<hbm>> -> memref<104x8x128xi32, #tpu.memory_space<hbm>>
      tpu.enqueue_dma source(%arg6 : memref<104x8x128xi32, #tpu.memory_space<vmem>>) target(%dma_start3A_38 : memref<104x8x128xi32, #tpu.memory_space<hbm>>) target_semaphore(%run_scoped3A : memref<!tpu.dma_semaphore, #tpu.memory_space<semaphore_mem>>)
      %dma_wait3A_39 = arith.constant 0 : i32
      %dma_wait3A_40 = arith.constant 0 : i32
      %dma_wait3A_41 = tpu.memref_slice %arg4[%add3A_12, %dma_wait3A_39, %dma_wait3A_40] : memref<10000x8x128xi32, #tpu.memory_space<hbm>> -> memref<104x8x128xi32, #tpu.memory_space<hbm>>
      %dma_wait3A_42 = arith.constant 0 : i32
      %dma_wait3A_43 = arith.constant 0 : i32
      %dma_wait3A_44 = tpu.memref_slice %arg4[%add3A_12, %dma_wait3A_42, %dma_wait3A_43] : memref<10000x8x128xi32, #tpu.memory_space<hbm>> -> memref<104x8x128xi32, #tpu.memory_space<hbm>>
      tpu.wait_dma2 semaphore(%run_scoped3A : memref<!tpu.dma_semaphore, #tpu.memory_space<semaphore_mem>>) src(%arg6 : memref<104x8x128xi32, #tpu.memory_space<vmem>>) dst(%dma_wait3A_44 : memref<104x8x128xi32, #tpu.memory_space<hbm>>)
      tpu.yield
    }) : () -> ()
    %add3A_21 = arith.constant 208 : i32
    %add3A_22 = arith.addi %mul3A_2, %add3A_21 : i32
    "tpu.region"() ({
      %run_scoped3A = tpu.sem_alloc : memref<!tpu.dma_semaphore, #tpu.memory_space<semaphore_mem>>
      %dma_start3A_33 = tpu.memref_slice %arg3[%add3A_22] : memref<10000xi32, #tpu.memory_space<hbm>> -> memref<104xi32, #tpu.memory_space<hbm>>
      %dma_start3A_34 = tpu.memref_slice %arg3[%add3A_22] : memref<10000xi32, #tpu.memory_space<hbm>> -> memref<104xi32, #tpu.memory_space<hbm>>
      tpu.enqueue_dma source(%dma_start3A_34 : memref<104xi32, #tpu.memory_space<hbm>>) target(%arg5 : memref<104xi32, #tpu.memory_space<vmem>>) target_semaphore(%run_scoped3A : memref<!tpu.dma_semaphore, #tpu.memory_space<semaphore_mem>>)
      %dma_wait3A_35 = tpu.memref_slice %arg3[%add3A_22] : memref<10000xi32, #tpu.memory_space<hbm>> -> memref<104xi32, #tpu.memory_space<hbm>>
      %dma_wait3A_36 = tpu.memref_slice %arg3[%add3A_22] : memref<10000xi32, #tpu.memory_space<hbm>> -> memref<104xi32, #tpu.memory_space<hbm>>
      tpu.wait_dma2 semaphore(%run_scoped3A : memref<!tpu.dma_semaphore, #tpu.memory_space<semaphore_mem>>) src(%dma_wait3A_36 : memref<104xi32, #tpu.memory_space<hbm>>) dst(%arg5 : memref<104xi32, #tpu.memory_space<vmem>>)
      tpu.yield
    }) : () -> ()
    %dma_start3A_23 = arith.constant 0 : i32
    %dma_start3A_24 = arith.constant 0 : i32
    %dma_start3A_25 = arith.constant 0 : i32
    %dma_start3A_26 = tpu.memref_slice %arg2[%dma_start3A_23, %dma_start3A_24, %dma_start3A_25] : memref<14336x8x128xi32, #tpu.memory_space<hbm>> -> memref<14336x8x128xi32, #tpu.memory_space<hbm>>
    tpu.enqueue_indirect_dma source(%dma_start3A_26 : memref<14336x8x128xi32, #tpu.memory_space<hbm>>) target(%arg6 : memref<104x8x128xi32, #tpu.memory_space<vmem>>) offsets(%arg5 : memref<104xi32, #tpu.memory_space<vmem>>) semaphore(%arg9 : memref<!tpu.dma_semaphore, #tpu.memory_space<semaphore_mem>>)
    %dma_wait3A_27 = arith.constant 0 : i32
    %dma_wait3A_28 = arith.constant 0 : i32
    %dma_wait3A_29 = arith.constant 0 : i32
    %dma_wait3A_30 = tpu.memref_slice %arg2[%dma_wait3A_27, %dma_wait3A_28, %dma_wait3A_29] : memref<14336x8x128xi32, #tpu.memory_space<hbm>> -> memref<14336x8x128xi32, #tpu.memory_space<hbm>>
    tpu.wait_indirect_dma semaphore(%arg9 : memref<!tpu.dma_semaphore, #tpu.memory_space<semaphore_mem>>) src(%dma_wait3A_30 : memref<14336x8x128xi32, #tpu.memory_space<hbm>>) dst(%arg6 : memref<104x8x128xi32, #tpu.memory_space<vmem>>)
    "tpu.region"() ({
      %run_scoped3A = tpu.sem_alloc : memref<!tpu.dma_semaphore, #tpu.memory_space<semaphore_mem>>
      %dma_start3A_33 = arith.constant 0 : i32
      %dma_start3A_34 = arith.constant 0 : i32
      %dma_start3A_35 = tpu.memref_slice %arg4[%add3A_22, %dma_start3A_33, %dma_start3A_34] : memref<10000x8x128xi32, #tpu.memory_space<hbm>> -> memref<104x8x128xi32, #tpu.memory_space<hbm>>
      %dma_start3A_36 = arith.constant 0 : i32
      %dma_start3A_37 = arith.constant 0 : i32
      %dma_start3A_38 = tpu.memref_slice %arg4[%add3A_22, %dma_start3A_36, %dma_start3A_37] : memref<10000x8x128xi32, #tpu.memory_space<hbm>> -> memref<104x8x128xi32, #tpu.memory_space<hbm>>
      tpu.enqueue_dma source(%arg6 : memref<104x8x128xi32, #tpu.memory_space<vmem>>) target(%dma_start3A_38 : memref<104x8x128xi32, #tpu.memory_space<hbm>>) target_semaphore(%run_scoped3A : memref<!tpu.dma_semaphore, #tpu.memory_space<semaphore_mem>>)
      %dma_wait3A_39 = arith.constant 0 : i32
      %dma_wait3A_40 = arith.constant 0 : i32
      %dma_wait3A_41 = tpu.memref_slice %arg4[%add3A_22, %dma_wait3A_39, %dma_wait3A_40] : memref<10000x8x128xi32, #tpu.memory_space<hbm>> -> memref<104x8x128xi32, #tpu.memory_space<hbm>>
      %dma_wait3A_42 = arith.constant 0 : i32
      %dma_wait3A_43 = arith.constant 0 : i32
      %dma_wait3A_44 = tpu.memref_slice %arg4[%add3A_22, %dma_wait3A_42, %dma_wait3A_43] : memref<10000x8x128xi32, #tpu.memory_space<hbm>> -> memref<104x8x128xi32, #tpu.memory_space<hbm>>
      tpu.wait_dma2 semaphore(%run_scoped3A : memref<!tpu.dma_semaphore, #tpu.memory_space<semaphore_mem>>) src(%arg6 : memref<104x8x128xi32, #tpu.memory_space<vmem>>) dst(%dma_wait3A_44 : memref<104x8x128xi32, #tpu.memory_space<hbm>>)
      tpu.yield
    }) : () -> ()
    %lt3A = arith.constant 2 : i32
    %lt3A_31 = arith.cmpi slt, %add3A, %lt3A : i32
    %convert_element_type3A = arith.extui %lt3A_31 : i1 to i32
    %cond3A = arith.constant 0 : i32
    %cond3A_32 = arith.cmpi ne, %convert_element_type3A, %cond3A : i32
    scf.if %cond3A_32 {
      %mul3A_33 = arith.constant 8 : i32
      %mul3A_34 = arith.muli %add3A, %mul3A_33 : i32
      %add3A_35 = arith.constant 9984 : i32
      %add3A_36 = arith.addi %add3A_35, %mul3A_34 : i32
      "tpu.region"() ({
        %run_scoped3A = tpu.sem_alloc : memref<!tpu.dma_semaphore, #tpu.memory_space<semaphore_mem>>
        %dma_start3A_45 = tpu.memref_slice %arg3[%add3A_36] : memref<10000xi32, #tpu.memory_space<hbm>> -> memref<8xi32, #tpu.memory_space<hbm>>
        %dma_start3A_46 = tpu.memref_slice %arg3[%add3A_36] : memref<10000xi32, #tpu.memory_space<hbm>> -> memref<8xi32, #tpu.memory_space<hbm>>
        tpu.enqueue_dma source(%dma_start3A_46 : memref<8xi32, #tpu.memory_space<hbm>>) target(%arg7 : memref<8xi32, #tpu.memory_space<vmem>>) target_semaphore(%run_scoped3A : memref<!tpu.dma_semaphore, #tpu.memory_space<semaphore_mem>>)
        %dma_wait3A_47 = tpu.memref_slice %arg3[%add3A_36] : memref<10000xi32, #tpu.memory_space<hbm>> -> memref<8xi32, #tpu.memory_space<hbm>>
        %dma_wait3A_48 = tpu.memref_slice %arg3[%add3A_36] : memref<10000xi32, #tpu.memory_space<hbm>> -> memref<8xi32, #tpu.memory_space<hbm>>
        tpu.wait_dma2 semaphore(%run_scoped3A : memref<!tpu.dma_semaphore, #tpu.memory_space<semaphore_mem>>) src(%dma_wait3A_48 : memref<8xi32, #tpu.memory_space<hbm>>) dst(%arg7 : memref<8xi32, #tpu.memory_space<vmem>>)
        tpu.yield
      }) : () -> ()
      %dma_start3A_37 = arith.constant 0 : i32
      %dma_start3A_38 = arith.constant 0 : i32
      %dma_start3A_39 = arith.constant 0 : i32
      %dma_start3A_40 = tpu.memref_slice %arg2[%dma_start3A_37, %dma_start3A_38, %dma_start3A_39] : memref<14336x8x128xi32, #tpu.memory_space<hbm>> -> memref<14336x8x128xi32, #tpu.memory_space<hbm>>
      tpu.enqueue_indirect_dma source(%dma_start3A_40 : memref<14336x8x128xi32, #tpu.memory_space<hbm>>) target(%arg8 : memref<8x8x128xi32, #tpu.memory_space<vmem>>) offsets(%arg7 : memref<8xi32, #tpu.memory_space<vmem>>) semaphore(%arg9 : memref<!tpu.dma_semaphore, #tpu.memory_space<semaphore_mem>>)
      %dma_wait3A_41 = arith.constant 0 : i32
      %dma_wait3A_42 = arith.constant 0 : i32
      %dma_wait3A_43 = arith.constant 0 : i32
      %dma_wait3A_44 = tpu.memref_slice %arg2[%dma_wait3A_41, %dma_wait3A_42, %dma_wait3A_43] : memref<14336x8x128xi32, #tpu.memory_space<hbm>> -> memref<14336x8x128xi32, #tpu.memory_space<hbm>>
      tpu.wait_indirect_dma semaphore(%arg9 : memref<!tpu.dma_semaphore, #tpu.memory_space<semaphore_mem>>) src(%dma_wait3A_44 : memref<14336x8x128xi32, #tpu.memory_space<hbm>>) dst(%arg8 : memref<8x8x128xi32, #tpu.memory_space<vmem>>)
      "tpu.region"() ({
        %run_scoped3A = tpu.sem_alloc : memref<!tpu.dma_semaphore, #tpu.memory_space<semaphore_mem>>
        %dma_start3A_45 = arith.constant 0 : i32
        %dma_start3A_46 = arith.constant 0 : i32
        %dma_start3A_47 = tpu.memref_slice %arg4[%add3A_36, %dma_start3A_45, %dma_start3A_46] : memref<10000x8x128xi32, #tpu.memory_space<hbm>> -> memref<8x8x128xi32, #tpu.memory_space<hbm>>
        %dma_start3A_48 = arith.constant 0 : i32
        %dma_start3A_49 = arith.constant 0 : i32
        %dma_start3A_50 = tpu.memref_slice %arg4[%add3A_36, %dma_start3A_48, %dma_start3A_49] : memref<10000x8x128xi32, #tpu.memory_space<hbm>> -> memref<8x8x128xi32, #tpu.memory_space<hbm>>
        tpu.enqueue_dma source(%arg8 : memref<8x8x128xi32, #tpu.memory_space<vmem>>) target(%dma_start3A_50 : memref<8x8x128xi32, #tpu.memory_space<hbm>>) target_semaphore(%run_scoped3A : memref<!tpu.dma_semaphore, #tpu.memory_space<semaphore_mem>>)
        %dma_wait3A_51 = arith.constant 0 : i32
        %dma_wait3A_52 = arith.constant 0 : i32
        %dma_wait3A_53 = tpu.memref_slice %arg4[%add3A_36, %dma_wait3A_51, %dma_wait3A_52] : memref<10000x8x128xi32, #tpu.memory_space<hbm>> -> memref<8x8x128xi32, #tpu.memory_space<hbm>>
        %dma_wait3A_54 = arith.constant 0 : i32
        %dma_wait3A_55 = arith.constant 0 : i32
        %dma_wait3A_56 = tpu.memref_slice %arg4[%add3A_36, %dma_wait3A_54, %dma_wait3A_55] : memref<10000x8x128xi32, #tpu.memory_space<hbm>> -> memref<8x8x128xi32, #tpu.memory_space<hbm>>
        tpu.wait_dma2 semaphore(%run_scoped3A : memref<!tpu.dma_semaphore, #tpu.memory_space<semaphore_mem>>) src(%arg8 : memref<8x8x128xi32, #tpu.memory_space<vmem>>) dst(%dma_wait3A_56 : memref<8x8x128xi32, #tpu.memory_space<hbm>>)
        tpu.yield
      }) : () -> ()
    } else {
    }
    return
  }
}

#map = affine_map<(d0, d1) -> (0, 0, 0)>
#map1 = affine_map<(d0, d1) -> (0)>
module attributes {stable_mosaic.version = 14 : i64} {
  func.func @_scatter_body(%arg0: i32, %arg1: i32, %arg2: memref<10000x8x128xi32, #tpu.memory_space<hbm>>, %arg3: memref<10000xi32, #tpu.memory_space<hbm>>, %arg4: memref<14336x8x128xi32, #tpu.memory_space<hbm>>, %arg5: memref<104xi32, #tpu.memory_space<vmem>>, %arg6: memref<104x8x128xi32, #tpu.memory_space<vmem>>, %arg7: memref<8xi32, #tpu.memory_space<vmem>>, %arg8: memref<8x8x128xi32, #tpu.memory_space<vmem>>, %arg9: memref<!tpu.dma_semaphore, #tpu.memory_space<semaphore_mem>>) attributes {dimension_semantics = [#tpu.dimension_semantics<core_parallel>, #tpu.dimension_semantics<subcore_parallel>], iteration_bounds = array<i64: 2, 16>, scalar_prefetch = 0 : i64, scratch_operands = 5 : i64, tpu.core_type = #tpu.core_type<sc_vector_subcore>, window_params = [{transform_indices = #map}, {transform_indices = #map1}, {transform_indices = #map}]} {
    %mul3A = arith.constant 2 : i32
    %mul3A_0 = arith.muli %arg1, %mul3A : i32
    %add3A = arith.addi %mul3A_0, %arg0 : i32
    %mul3A_1 = arith.constant 312 : i32
    %mul3A_2 = arith.muli %add3A, %mul3A_1 : i32
    %add3A_3 = arith.constant 0 : i32
    %add3A_4 = arith.addi %mul3A_2, %add3A_3 : i32
    "tpu.region"() ({
      %run_scoped3A = tpu.sem_alloc : memref<!tpu.dma_semaphore, #tpu.memory_space<semaphore_mem>>
      %dma_start3A_33 = tpu.memref_slice %arg3[%add3A_4] : memref<10000xi32, #tpu.memory_space<hbm>> -> memref<104xi32, #tpu.memory_space<hbm>>
      %dma_start3A_34 = tpu.memref_slice %arg3[%add3A_4] : memref<10000xi32, #tpu.memory_space<hbm>> -> memref<104xi32, #tpu.memory_space<hbm>>
      tpu.enqueue_dma source(%dma_start3A_34 : memref<104xi32, #tpu.memory_space<hbm>>) target(%arg5 : memref<104xi32, #tpu.memory_space<vmem>>) target_semaphore(%run_scoped3A : memref<!tpu.dma_semaphore, #tpu.memory_space<semaphore_mem>>)
      %dma_wait3A_35 = tpu.memref_slice %arg3[%add3A_4] : memref<10000xi32, #tpu.memory_space<hbm>> -> memref<104xi32, #tpu.memory_space<hbm>>
      %dma_wait3A_36 = tpu.memref_slice %arg3[%add3A_4] : memref<10000xi32, #tpu.memory_space<hbm>> -> memref<104xi32, #tpu.memory_space<hbm>>
      tpu.wait_dma2 semaphore(%run_scoped3A : memref<!tpu.dma_semaphore, #tpu.memory_space<semaphore_mem>>) src(%dma_wait3A_36 : memref<104xi32, #tpu.memory_space<hbm>>) dst(%arg5 : memref<104xi32, #tpu.memory_space<vmem>>)
      tpu.yield
    }) : () -> ()
    "tpu.region"() ({
      %run_scoped3A = tpu.sem_alloc : memref<!tpu.dma_semaphore, #tpu.memory_space<semaphore_mem>>
      %dma_start3A_33 = arith.constant 0 : i32
      %dma_start3A_34 = arith.constant 0 : i32
      %dma_start3A_35 = tpu.memref_slice %arg2[%add3A_4, %dma_start3A_33, %dma_start3A_34] : memref<10000x8x128xi32, #tpu.memory_space<hbm>> -> memref<104x8x128xi32, #tpu.memory_space<hbm>>
      %dma_start3A_36 = arith.constant 0 : i32
      %dma_start3A_37 = arith.constant 0 : i32
      %dma_start3A_38 = tpu.memref_slice %arg2[%add3A_4, %dma_start3A_36, %dma_start3A_37] : memref<10000x8x128xi32, #tpu.memory_space<hbm>> -> memref<104x8x128xi32, #tpu.memory_space<hbm>>
      tpu.enqueue_dma source(%dma_start3A_38 : memref<104x8x128xi32, #tpu.memory_space<hbm>>) target(%arg6 : memref<104x8x128xi32, #tpu.memory_space<vmem>>) target_semaphore(%run_scoped3A : memref<!tpu.dma_semaphore, #tpu.memory_space<semaphore_mem>>)
      %dma_wait3A_39 = arith.constant 0 : i32
      %dma_wait3A_40 = arith.constant 0 : i32
      %dma_wait3A_41 = tpu.memref_slice %arg2[%add3A_4, %dma_wait3A_39, %dma_wait3A_40] : memref<10000x8x128xi32, #tpu.memory_space<hbm>> -> memref<104x8x128xi32, #tpu.memory_space<hbm>>
      %dma_wait3A_42 = arith.constant 0 : i32
      %dma_wait3A_43 = arith.constant 0 : i32
      %dma_wait3A_44 = tpu.memref_slice %arg2[%add3A_4, %dma_wait3A_42, %dma_wait3A_43] : memref<10000x8x128xi32, #tpu.memory_space<hbm>> -> memref<104x8x128xi32, #tpu.memory_space<hbm>>
      tpu.wait_dma2 semaphore(%run_scoped3A : memref<!tpu.dma_semaphore, #tpu.memory_space<semaphore_mem>>) src(%dma_wait3A_44 : memref<104x8x128xi32, #tpu.memory_space<hbm>>) dst(%arg6 : memref<104x8x128xi32, #tpu.memory_space<vmem>>)
      tpu.yield
    }) : () -> ()
    %dma_start3A = arith.constant 0 : i32
    %dma_start3A_5 = arith.constant 0 : i32
    %dma_start3A_6 = arith.constant 0 : i32
    %dma_start3A_7 = tpu.memref_slice %arg4[%dma_start3A, %dma_start3A_5, %dma_start3A_6] : memref<14336x8x128xi32, #tpu.memory_space<hbm>> -> memref<14336x8x128xi32, #tpu.memory_space<hbm>>
    tpu.enqueue_indirect_dma source(%arg6 : memref<104x8x128xi32, #tpu.memory_space<vmem>>) target(%dma_start3A_7 : memref<14336x8x128xi32, #tpu.memory_space<hbm>>) offsets(%arg5 : memref<104xi32, #tpu.memory_space<vmem>>) semaphore(%arg9 : memref<!tpu.dma_semaphore, #tpu.memory_space<semaphore_mem>>)
    %dma_wait3A = arith.constant 0 : i32
    %dma_wait3A_8 = arith.constant 0 : i32
    %dma_wait3A_9 = arith.constant 0 : i32
    %dma_wait3A_10 = tpu.memref_slice %arg4[%dma_wait3A, %dma_wait3A_8, %dma_wait3A_9] : memref<14336x8x128xi32, #tpu.memory_space<hbm>> -> memref<14336x8x128xi32, #tpu.memory_space<hbm>>
    tpu.wait_indirect_dma semaphore(%arg9 : memref<!tpu.dma_semaphore, #tpu.memory_space<semaphore_mem>>) src(%arg6 : memref<104x8x128xi32, #tpu.memory_space<vmem>>) dst(%dma_wait3A_10 : memref<14336x8x128xi32, #tpu.memory_space<hbm>>)
    %add3A_11 = arith.constant 104 : i32
    %add3A_12 = arith.addi %mul3A_2, %add3A_11 : i32
    "tpu.region"() ({
      %run_scoped3A = tpu.sem_alloc : memref<!tpu.dma_semaphore, #tpu.memory_space<semaphore_mem>>
      %dma_start3A_33 = tpu.memref_slice %arg3[%add3A_12] : memref<10000xi32, #tpu.memory_space<hbm>> -> memref<104xi32, #tpu.memory_space<hbm>>
      %dma_start3A_34 = tpu.memref_slice %arg3[%add3A_12] : memref<10000xi32, #tpu.memory_space<hbm>> -> memref<104xi32, #tpu.memory_space<hbm>>
      tpu.enqueue_dma source(%dma_start3A_34 : memref<104xi32, #tpu.memory_space<hbm>>) target(%arg5 : memref<104xi32, #tpu.memory_space<vmem>>) target_semaphore(%run_scoped3A : memref<!tpu.dma_semaphore, #tpu.memory_space<semaphore_mem>>)
      %dma_wait3A_35 = tpu.memref_slice %arg3[%add3A_12] : memref<10000xi32, #tpu.memory_space<hbm>> -> memref<104xi32, #tpu.memory_space<hbm>>
      %dma_wait3A_36 = tpu.memref_slice %arg3[%add3A_12] : memref<10000xi32, #tpu.memory_space<hbm>> -> memref<104xi32, #tpu.memory_space<hbm>>
      tpu.wait_dma2 semaphore(%run_scoped3A : memref<!tpu.dma_semaphore, #tpu.memory_space<semaphore_mem>>) src(%dma_wait3A_36 : memref<104xi32, #tpu.memory_space<hbm>>) dst(%arg5 : memref<104xi32, #tpu.memory_space<vmem>>)
      tpu.yield
    }) : () -> ()
    "tpu.region"() ({
      %run_scoped3A = tpu.sem_alloc : memref<!tpu.dma_semaphore, #tpu.memory_space<semaphore_mem>>
      %dma_start3A_33 = arith.constant 0 : i32
      %dma_start3A_34 = arith.constant 0 : i32
      %dma_start3A_35 = tpu.memref_slice %arg2[%add3A_12, %dma_start3A_33, %dma_start3A_34] : memref<10000x8x128xi32, #tpu.memory_space<hbm>> -> memref<104x8x128xi32, #tpu.memory_space<hbm>>
      %dma_start3A_36 = arith.constant 0 : i32
      %dma_start3A_37 = arith.constant 0 : i32
      %dma_start3A_38 = tpu.memref_slice %arg2[%add3A_12, %dma_start3A_36, %dma_start3A_37] : memref<10000x8x128xi32, #tpu.memory_space<hbm>> -> memref<104x8x128xi32, #tpu.memory_space<hbm>>
      tpu.enqueue_dma source(%dma_start3A_38 : memref<104x8x128xi32, #tpu.memory_space<hbm>>) target(%arg6 : memref<104x8x128xi32, #tpu.memory_space<vmem>>) target_semaphore(%run_scoped3A : memref<!tpu.dma_semaphore, #tpu.memory_space<semaphore_mem>>)
      %dma_wait3A_39 = arith.constant 0 : i32
      %dma_wait3A_40 = arith.constant 0 : i32
      %dma_wait3A_41 = tpu.memref_slice %arg2[%add3A_12, %dma_wait3A_39, %dma_wait3A_40] : memref<10000x8x128xi32, #tpu.memory_space<hbm>> -> memref<104x8x128xi32, #tpu.memory_space<hbm>>
      %dma_wait3A_42 = arith.constant 0 : i32
      %dma_wait3A_43 = arith.constant 0 : i32
      %dma_wait3A_44 = tpu.memref_slice %arg2[%add3A_12, %dma_wait3A_42, %dma_wait3A_43] : memref<10000x8x128xi32, #tpu.memory_space<hbm>> -> memref<104x8x128xi32, #tpu.memory_space<hbm>>
      tpu.wait_dma2 semaphore(%run_scoped3A : memref<!tpu.dma_semaphore, #tpu.memory_space<semaphore_mem>>) src(%dma_wait3A_44 : memref<104x8x128xi32, #tpu.memory_space<hbm>>) dst(%arg6 : memref<104x8x128xi32, #tpu.memory_space<vmem>>)
      tpu.yield
    }) : () -> ()
    %dma_start3A_13 = arith.constant 0 : i32
    %dma_start3A_14 = arith.constant 0 : i32
    %dma_start3A_15 = arith.constant 0 : i32
    %dma_start3A_16 = tpu.memref_slice %arg4[%dma_start3A_13, %dma_start3A_14, %dma_start3A_15] : memref<14336x8x128xi32, #tpu.memory_space<hbm>> -> memref<14336x8x128xi32, #tpu.memory_space<hbm>>
    tpu.enqueue_indirect_dma source(%arg6 : memref<104x8x128xi32, #tpu.memory_space<vmem>>) target(%dma_start3A_16 : memref<14336x8x128xi32, #tpu.memory_space<hbm>>) offsets(%arg5 : memref<104xi32, #tpu.memory_space<vmem>>) semaphore(%arg9 : memref<!tpu.dma_semaphore, #tpu.memory_space<semaphore_mem>>)
    %dma_wait3A_17 = arith.constant 0 : i32
    %dma_wait3A_18 = arith.constant 0 : i32
    %dma_wait3A_19 = arith.constant 0 : i32
    %dma_wait3A_20 = tpu.memref_slice %arg4[%dma_wait3A_17, %dma_wait3A_18, %dma_wait3A_19] : memref<14336x8x128xi32, #tpu.memory_space<hbm>> -> memref<14336x8x128xi32, #tpu.memory_space<hbm>>
    tpu.wait_indirect_dma semaphore(%arg9 : memref<!tpu.dma_semaphore, #tpu.memory_space<semaphore_mem>>) src(%arg6 : memref<104x8x128xi32, #tpu.memory_space<vmem>>) dst(%dma_wait3A_20 : memref<14336x8x128xi32, #tpu.memory_space<hbm>>)
    %add3A_21 = arith.constant 208 : i32
    %add3A_22 = arith.addi %mul3A_2, %add3A_21 : i32
    "tpu.region"() ({
      %run_scoped3A = tpu.sem_alloc : memref<!tpu.dma_semaphore, #tpu.memory_space<semaphore_mem>>
      %dma_start3A_33 = tpu.memref_slice %arg3[%add3A_22] : memref<10000xi32, #tpu.memory_space<hbm>> -> memref<104xi32, #tpu.memory_space<hbm>>
      %dma_start3A_34 = tpu.memref_slice %arg3[%add3A_22] : memref<10000xi32, #tpu.memory_space<hbm>> -> memref<104xi32, #tpu.memory_space<hbm>>
      tpu.enqueue_dma source(%dma_start3A_34 : memref<104xi32, #tpu.memory_space<hbm>>) target(%arg5 : memref<104xi32, #tpu.memory_space<vmem>>) target_semaphore(%run_scoped3A : memref<!tpu.dma_semaphore, #tpu.memory_space<semaphore_mem>>)
      %dma_wait3A_35 = tpu.memref_slice %arg3[%add3A_22] : memref<10000xi32, #tpu.memory_space<hbm>> -> memref<104xi32, #tpu.memory_space<hbm>>
      %dma_wait3A_36 = tpu.memref_slice %arg3[%add3A_22] : memref<10000xi32, #tpu.memory_space<hbm>> -> memref<104xi32, #tpu.memory_space<hbm>>
      tpu.wait_dma2 semaphore(%run_scoped3A : memref<!tpu.dma_semaphore, #tpu.memory_space<semaphore_mem>>) src(%dma_wait3A_36 : memref<104xi32, #tpu.memory_space<hbm>>) dst(%arg5 : memref<104xi32, #tpu.memory_space<vmem>>)
      tpu.yield
    }) : () -> ()
    "tpu.region"() ({
      %run_scoped3A = tpu.sem_alloc : memref<!tpu.dma_semaphore, #tpu.memory_space<semaphore_mem>>
      %dma_start3A_33 = arith.constant 0 : i32
      %dma_start3A_34 = arith.constant 0 : i32
      %dma_start3A_35 = tpu.memref_slice %arg2[%add3A_22, %dma_start3A_33, %dma_start3A_34] : memref<10000x8x128xi32, #tpu.memory_space<hbm>> -> memref<104x8x128xi32, #tpu.memory_space<hbm>>
      %dma_start3A_36 = arith.constant 0 : i32
      %dma_start3A_37 = arith.constant 0 : i32
      %dma_start3A_38 = tpu.memref_slice %arg2[%add3A_22, %dma_start3A_36, %dma_start3A_37] : memref<10000x8x128xi32, #tpu.memory_space<hbm>> -> memref<104x8x128xi32, #tpu.memory_space<hbm>>
      tpu.enqueue_dma source(%dma_start3A_38 : memref<104x8x128xi32, #tpu.memory_space<hbm>>) target(%arg6 : memref<104x8x128xi32, #tpu.memory_space<vmem>>) target_semaphore(%run_scoped3A : memref<!tpu.dma_semaphore, #tpu.memory_space<semaphore_mem>>)
      %dma_wait3A_39 = arith.constant 0 : i32
      %dma_wait3A_40 = arith.constant 0 : i32
      %dma_wait3A_41 = tpu.memref_slice %arg2[%add3A_22, %dma_wait3A_39, %dma_wait3A_40] : memref<10000x8x128xi32, #tpu.memory_space<hbm>> -> memref<104x8x128xi32, #tpu.memory_space<hbm>>
      %dma_wait3A_42 = arith.constant 0 : i32
      %dma_wait3A_43 = arith.constant 0 : i32
      %dma_wait3A_44 = tpu.memref_slice %arg2[%add3A_22, %dma_wait3A_42, %dma_wait3A_43] : memref<10000x8x128xi32, #tpu.memory_space<hbm>> -> memref<104x8x128xi32, #tpu.memory_space<hbm>>
      tpu.wait_dma2 semaphore(%run_scoped3A : memref<!tpu.dma_semaphore, #tpu.memory_space<semaphore_mem>>) src(%dma_wait3A_44 : memref<104x8x128xi32, #tpu.memory_space<hbm>>) dst(%arg6 : memref<104x8x128xi32, #tpu.memory_space<vmem>>)
      tpu.yield
    }) : () -> ()
    %dma_start3A_23 = arith.constant 0 : i32
    %dma_start3A_24 = arith.constant 0 : i32
    %dma_start3A_25 = arith.constant 0 : i32
    %dma_start3A_26 = tpu.memref_slice %arg4[%dma_start3A_23, %dma_start3A_24, %dma_start3A_25] : memref<14336x8x128xi32, #tpu.memory_space<hbm>> -> memref<14336x8x128xi32, #tpu.memory_space<hbm>>
    tpu.enqueue_indirect_dma source(%arg6 : memref<104x8x128xi32, #tpu.memory_space<vmem>>) target(%dma_start3A_26 : memref<14336x8x128xi32, #tpu.memory_space<hbm>>) offsets(%arg5 : memref<104xi32, #tpu.memory_space<vmem>>) semaphore(%arg9 : memref<!tpu.dma_semaphore, #tpu.memory_space<semaphore_mem>>)
    %dma_wait3A_27 = arith.constant 0 : i32
    %dma_wait3A_28 = arith.constant 0 : i32
    %dma_wait3A_29 = arith.constant 0 : i32
    %dma_wait3A_30 = tpu.memref_slice %arg4[%dma_wait3A_27, %dma_wait3A_28, %dma_wait3A_29] : memref<14336x8x128xi32, #tpu.memory_space<hbm>> -> memref<14336x8x128xi32, #tpu.memory_space<hbm>>
    tpu.wait_indirect_dma semaphore(%arg9 : memref<!tpu.dma_semaphore, #tpu.memory_space<semaphore_mem>>) src(%arg6 : memref<104x8x128xi32, #tpu.memory_space<vmem>>) dst(%dma_wait3A_30 : memref<14336x8x128xi32, #tpu.memory_space<hbm>>)
    %lt3A = arith.constant 2 : i32
    %lt3A_31 = arith.cmpi slt, %add3A, %lt3A : i32
    %convert_element_type3A = arith.extui %lt3A_31 : i1 to i32
    %cond3A = arith.constant 0 : i32
    %cond3A_32 = arith.cmpi ne, %convert_element_type3A, %cond3A : i32
    scf.if %cond3A_32 {
      %mul3A_33 = arith.constant 8 : i32
      %mul3A_34 = arith.muli %add3A, %mul3A_33 : i32
      %add3A_35 = arith.constant 9984 : i32
      %add3A_36 = arith.addi %add3A_35, %mul3A_34 : i32
      "tpu.region"() ({
        %run_scoped3A = tpu.sem_alloc : memref<!tpu.dma_semaphore, #tpu.memory_space<semaphore_mem>>
        %dma_start3A_45 = tpu.memref_slice %arg3[%add3A_36] : memref<10000xi32, #tpu.memory_space<hbm>> -> memref<8xi32, #tpu.memory_space<hbm>>
        %dma_start3A_46 = tpu.memref_slice %arg3[%add3A_36] : memref<10000xi32, #tpu.memory_space<hbm>> -> memref<8xi32, #tpu.memory_space<hbm>>
        tpu.enqueue_dma source(%dma_start3A_46 : memref<8xi32, #tpu.memory_space<hbm>>) target(%arg7 : memref<8xi32, #tpu.memory_space<vmem>>) target_semaphore(%run_scoped3A : memref<!tpu.dma_semaphore, #tpu.memory_space<semaphore_mem>>)
        %dma_wait3A_47 = tpu.memref_slice %arg3[%add3A_36] : memref<10000xi32, #tpu.memory_space<hbm>> -> memref<8xi32, #tpu.memory_space<hbm>>
        %dma_wait3A_48 = tpu.memref_slice %arg3[%add3A_36] : memref<10000xi32, #tpu.memory_space<hbm>> -> memref<8xi32, #tpu.memory_space<hbm>>
        tpu.wait_dma2 semaphore(%run_scoped3A : memref<!tpu.dma_semaphore, #tpu.memory_space<semaphore_mem>>) src(%dma_wait3A_48 : memref<8xi32, #tpu.memory_space<hbm>>) dst(%arg7 : memref<8xi32, #tpu.memory_space<vmem>>)
        tpu.yield
      }) : () -> ()
      "tpu.region"() ({
        %run_scoped3A = tpu.sem_alloc : memref<!tpu.dma_semaphore, #tpu.memory_space<semaphore_mem>>
        %dma_start3A_45 = arith.constant 0 : i32
        %dma_start3A_46 = arith.constant 0 : i32
        %dma_start3A_47 = tpu.memref_slice %arg2[%add3A_36, %dma_start3A_45, %dma_start3A_46] : memref<10000x8x128xi32, #tpu.memory_space<hbm>> -> memref<8x8x128xi32, #tpu.memory_space<hbm>>
        %dma_start3A_48 = arith.constant 0 : i32
        %dma_start3A_49 = arith.constant 0 : i32
        %dma_start3A_50 = tpu.memref_slice %arg2[%add3A_36, %dma_start3A_48, %dma_start3A_49] : memref<10000x8x128xi32, #tpu.memory_space<hbm>> -> memref<8x8x128xi32, #tpu.memory_space<hbm>>
        tpu.enqueue_dma source(%dma_start3A_50 : memref<8x8x128xi32, #tpu.memory_space<hbm>>) target(%arg8 : memref<8x8x128xi32, #tpu.memory_space<vmem>>) target_semaphore(%run_scoped3A : memref<!tpu.dma_semaphore, #tpu.memory_space<semaphore_mem>>)
        %dma_wait3A_51 = arith.constant 0 : i32
        %dma_wait3A_52 = arith.constant 0 : i32
        %dma_wait3A_53 = tpu.memref_slice %arg2[%add3A_36, %dma_wait3A_51, %dma_wait3A_52] : memref<10000x8x128xi32, #tpu.memory_space<hbm>> -> memref<8x8x128xi32, #tpu.memory_space<hbm>>
        %dma_wait3A_54 = arith.constant 0 : i32
        %dma_wait3A_55 = arith.constant 0 : i32
        %dma_wait3A_56 = tpu.memref_slice %arg2[%add3A_36, %dma_wait3A_54, %dma_wait3A_55] : memref<10000x8x128xi32, #tpu.memory_space<hbm>> -> memref<8x8x128xi32, #tpu.memory_space<hbm>>
        tpu.wait_dma2 semaphore(%run_scoped3A : memref<!tpu.dma_semaphore, #tpu.memory_space<semaphore_mem>>) src(%dma_wait3A_56 : memref<8x8x128xi32, #tpu.memory_space<hbm>>) dst(%arg8 : memref<8x8x128xi32, #tpu.memory_space<vmem>>)
        tpu.yield
      }) : () -> ()
      %dma_start3A_37 = arith.constant 0 : i32
      %dma_start3A_38 = arith.constant 0 : i32
      %dma_start3A_39 = arith.constant 0 : i32
      %dma_start3A_40 = tpu.memref_slice %arg4[%dma_start3A_37, %dma_start3A_38, %dma_start3A_39] : memref<14336x8x128xi32, #tpu.memory_space<hbm>> -> memref<14336x8x128xi32, #tpu.memory_space<hbm>>
      tpu.enqueue_indirect_dma source(%arg8 : memref<8x8x128xi32, #tpu.memory_space<vmem>>) target(%dma_start3A_40 : memref<14336x8x128xi32, #tpu.memory_space<hbm>>) offsets(%arg7 : memref<8xi32, #tpu.memory_space<vmem>>) semaphore(%arg9 : memref<!tpu.dma_semaphore, #tpu.memory_space<semaphore_mem>>)
      %dma_wait3A_41 = arith.constant 0 : i32
      %dma_wait3A_42 = arith.constant 0 : i32
      %dma_wait3A_43 = arith.constant 0 : i32
      %dma_wait3A_44 = tpu.memref_slice %arg4[%dma_wait3A_41, %dma_wait3A_42, %dma_wait3A_43] : memref<14336x8x128xi32, #tpu.memory_space<hbm>> -> memref<14336x8x128xi32, #tpu.memory_space<hbm>>
      tpu.wait_indirect_dma semaphore(%arg9 : memref<!tpu.dma_semaphore, #tpu.memory_space<semaphore_mem>>) src(%arg8 : memref<8x8x128xi32, #tpu.memory_space<vmem>>) dst(%dma_wait3A_44 : memref<14336x8x128xi32, #tpu.memory_space<hbm>>)
    } else {
    }
    return
  }
}

module attributes {stable_mosaic.version = 14 : i64} {
  func.func @_route_b_body(%arg0: i32, %arg1: memref<1000x16xf32, #tpu.memory_space<vmem>>, %arg2: memref<1x1000x16xf32, #tpu.memory_space<vmem>>, %arg3: memref<1x128xf32, #tpu.memory_space<vmem>>, %arg4: memref<1000x16x96xf32, #tpu.memory_space<vmem>>, %arg5: memref<1x1x1000xi32, #tpu.memory_space<vmem>>, %arg6: memref<1000x8x128xi32, #tpu.memory_space<vmem>>) attributes {dimension_semantics = [#tpu.dimension_semantics<arbitrary>], iteration_bounds = array<i64: 10>, scalar_prefetch = 0 : i64, scratch_operands = 0 : i64, tpu.core_type = #tpu.core_type<tc>, window_params = [{transform_indices = @transform_0, window_bounds = array<i64: 1000, 16>}, {transform_indices = @transform_1, window_bounds = array<i64: 1, 1000, 16>}, {pipeline_mode = #tpu.pipeline_mode<synchronous>, transform_indices = @transform_2, window_bounds = array<i64: 1, 128>}, {transform_indices = @transform_3, window_bounds = array<i64: 1000, 16, 96>}, {transform_indices = @transform_4, window_bounds = array<i64: 1, 1, 1000>}, {transform_indices = @transform_5, window_bounds = array<i64: 1000, 8, 128>}]} {
    %get3A = arith.constant 0 : index
    %get3A_0 = arith.constant 0 : index
    %get3A_1 = vector.load %arg1[%get3A, %get3A_0] : memref<1000x16xf32, #tpu.memory_space<vmem>>, vector<1000x16xf32>
    %get3A_2 = arith.constant 0 : index
    %get3A_3 = arith.constant 0 : index
    %get3A_4 = arith.constant 0 : index
    %get3A_5 = vector.load %arg2[%get3A_2, %get3A_3, %get3A_4] : memref<1x1000x16xf32, #tpu.memory_space<vmem>>, vector<1x1000x16xf32>
    %reshape3A = vector.shape_cast %get3A_5 : vector<1x1000x16xf32> to vector<1000x16xf32>
    %get3A_6 = arith.constant 0 : index
    %get3A_7 = arith.constant 0 : index
    %get3A_8 = vector.load %arg3[%get3A_6, %get3A_7] : memref<1x128xf32, #tpu.memory_space<vmem>>, vector<1x16xf32>
    %mul3A = vector.broadcast %get3A_8 : vector<1x16xf32> to vector<1000x16xf32>
    %mul3A_9 = arith.mulf %get3A_1, %mul3A : vector<1000x16xf32>
    %add3A = arith.addf %reshape3A, %mul3A_9 : vector<1000x16xf32>
    %reduce_sum3A = arith.constant dense<0.000000e+00> : vector<1000xf32>
    %reduce_sum3A_10 = vector.multi_reduction <add>, %add3A, %reduce_sum3A [1] : vector<1000x16xf32> to vector<1000xf32>
    %convert_element_type3A = arith.fptosi %reduce_sum3A_10 : vector<1000xf32> to vector<1000xi32>
    %reshape3A_11 = vector.shape_cast %convert_element_type3A : vector<1000xi32> to vector<1x1x1000xi32>
    %swap3A = arith.constant 0 : index
    %swap3A_12 = arith.constant 0 : index
    %swap3A_13 = arith.constant 0 : index
    %swap3A_14 = vector.load %arg5[%swap3A, %swap3A_12, %swap3A_13] : memref<1x1x1000xi32, #tpu.memory_space<vmem>>, vector<1x1x1000xi32>
    tpu.vector_store %arg5[%swap3A, %swap3A_12, %swap3A_13], %reshape3A_11 {strides = array<i32>} : memref<1x1x1000xi32, #tpu.memory_space<vmem>>, vector<1x1x1000xi32>,
    %get3A_15 = arith.constant 0 : index
    %get3A_16 = arith.constant 0 : index
    %get3A_17 = arith.constant 0 : index
    %get3A_18 = vector.load %arg4[%get3A_15, %get3A_16, %get3A_17] : memref<1000x16x96xf32, #tpu.memory_space<vmem>>, vector<1000x16x96xf32>
    %convert_element_type3A_19 = arith.truncf %get3A_18 : vector<1000x16x96xf32> to vector<1000x16x96xbf16>
    %jit3A = arith.constant 0 : i32
    %convert_element_type3A_20 = arith.sitofp %jit3A : i32 to bf16
    %pad3A = vector.broadcast %convert_element_type3A_20 : bf16 to vector<1000x16x32xbf16>
    %pad3A_21 = tpu.concatenate %convert_element_type3A_19, %pad3A in 2 : vector<1000x16x96xbf16>, vector<1000x16x32xbf16> -> vector<1000x16x128xbf16>
    %bitcast3A = tpu.bitcast %pad3A_21 : vector<1000x16x128xbf16> -> vector<1000x8x128xi32>
    %swap3A_22 = arith.constant 0 : index
    %swap3A_23 = arith.constant 0 : index
    %swap3A_24 = arith.constant 0 : index
    %swap3A_25 = vector.load %arg6[%swap3A_22, %swap3A_23, %swap3A_24] : memref<1000x8x128xi32, #tpu.memory_space<vmem>>, vector<1000x8x128xi32>
    tpu.vector_store %arg6[%swap3A_22, %swap3A_23, %swap3A_24], %bitcast3A {strides = array<i32>} : memref<1000x8x128xi32, #tpu.memory_space<vmem>>, vector<1000x8x128xi32>,
    return
  }
  func.func @transform_0(%arg0: i32) -> (i32, i32) {
    %c0_i32 = arith.constant 0 : i32
    %c0_i32_0 = arith.constant 0 : i32
    return %arg0, %c0_i32 : i32, i32
  }
  func.func @transform_1(%arg0: i32) -> (i32, i32, i32) {
    %c0_i32 = arith.constant 0 : i32
    %c0_i32_0 = arith.constant 0 : i32
    %c0_i32_1 = arith.constant 0 : i32
    return %arg0, %c0_i32, %c0_i32_0 : i32, i32, i32
  }
  func.func @transform_2(%arg0: i32) -> (i32, i32) {
    %c0_i32 = arith.constant 0 : i32
    %c0_i32_0 = arith.constant 0 : i32
    %c0_i32_1 = arith.constant 0 : i32
    return %c0_i32, %c0_i32_0 : i32, i32
  }
  func.func @transform_3(%arg0: i32) -> (i32, i32, i32) {
    %c0_i32 = arith.constant 0 : i32
    %c0_i32_0 = arith.constant 0 : i32
    %c0_i32_1 = arith.constant 0 : i32
    return %arg0, %c0_i32, %c0_i32_0 : i32, i32, i32
  }
  func.func @transform_4(%arg0: i32) -> (i32, i32, i32) {
    %c0_i32 = arith.constant 0 : i32
    %c0_i32_0 = arith.constant 0 : i32
    %c0_i32_1 = arith.constant 0 : i32
    return %arg0, %c0_i32, %c0_i32_0 : i32, i32, i32
  }
  func.func @transform_5(%arg0: i32) -> (i32, i32, i32) {
    %c0_i32 = arith.constant 0 : i32
    %c0_i32_0 = arith.constant 0 : i32
    %c0_i32_1 = arith.constant 0 : i32
    return %arg0, %c0_i32, %c0_i32_0 : i32, i32, i32
  }
}

module attributes {stable_mosaic.version = 14 : i64} {
  func.func @_route_a_body(%arg0: i32, %arg1: memref<1000x16xf32, #tpu.memory_space<vmem>>, %arg2: memref<1x1000x16xf32, #tpu.memory_space<vmem>>, %arg3: memref<1x128xf32, #tpu.memory_space<vmem>>, %arg4: memref<1x128xi32, #tpu.memory_space<vmem>>, %arg5: memref<8x128xf32, #tpu.memory_space<vmem>>) attributes {dimension_semantics = [#tpu.dimension_semantics<arbitrary>], iteration_bounds = array<i64: 10>, scalar_prefetch = 0 : i64, scratch_operands = 1 : i64, tpu.core_type = #tpu.core_type<tc>, window_params = [{transform_indices = @transform_0, window_bounds = array<i64: 1000, 16>}, {transform_indices = @transform_1, window_bounds = array<i64: 1, 1000, 16>}, {pipeline_mode = #tpu.pipeline_mode<synchronous>, transform_indices = @transform_2, window_bounds = array<i64: 1, 128>}, {pipeline_mode = #tpu.pipeline_mode<synchronous>, transform_indices = @transform_3, window_bounds = array<i64: 1, 128>}]} {
    %eq3A = arith.constant 0 : i32
    %eq3A_0 = arith.cmpi eq, %arg0, %eq3A : i32
    %convert_element_type3A = arith.extui %eq3A_0 : i1 to i32
    %cond3A = arith.constant 0 : i32
    %cond3A_1 = arith.cmpi ne, %convert_element_type3A, %cond3A : i32
    scf.if %cond3A_1 {
      %broadcast_in_dim3A_68 = arith.constant 0.000000e+00 : f32
      %broadcast_in_dim3A_69 = vector.broadcast %broadcast_in_dim3A_68 : f32 to vector<8x128xf32>
      %swap3A_70 = arith.constant 0 : index
      %swap3A_71 = arith.constant 0 : index
      %swap3A_72 = vector.load %arg5[%swap3A_70, %swap3A_71] : memref<8x128xf32, #tpu.memory_space<vmem>>, vector<8x128xf32>
      tpu.vector_store %arg5[%swap3A_70, %swap3A_71], %broadcast_in_dim3A_69 {strides = array<i32>} : memref<8x128xf32, #tpu.memory_space<vmem>>, vector<8x128xf32>,
    } else {
    }
    %get3A = arith.constant 0 : index
    %get3A_2 = arith.constant 0 : index
    %get3A_3 = vector.load %arg1[%get3A, %get3A_2] : memref<1000x16xf32, #tpu.memory_space<vmem>>, vector<1000x16xf32>
    %broadcast_in_dim3A = arith.constant 0.000000e+00 : f32
    %broadcast_in_dim3A_4 = vector.broadcast %broadcast_in_dim3A : f32 to vector<1x16xf32>
    %slice3A = vector.extract_strided_slice %get3A_3 {offsets = [0, 0], sizes = [999, 16], strides = [1, 1]} : vector<1000x16xf32> to vector<999x16xf32>
    %concatenate3A = tpu.concatenate %broadcast_in_dim3A_4, %slice3A in 0 : vector<1x16xf32>, vector<999x16xf32> -> vector<1000x16xf32>
    %add3A = arith.addf %get3A_3, %concatenate3A : vector<1000x16xf32>
    %broadcast_in_dim3A_5 = arith.constant 0.000000e+00 : f32
    %broadcast_in_dim3A_6 = vector.broadcast %broadcast_in_dim3A_5 : f32 to vector<2x16xf32>
    %slice3A_7 = vector.extract_strided_slice %add3A {offsets = [0, 0], sizes = [998, 16], strides = [1, 1]} : vector<1000x16xf32> to vector<998x16xf32>
    %concatenate3A_8 = tpu.concatenate %broadcast_in_dim3A_6, %slice3A_7 in 0 : vector<2x16xf32>, vector<998x16xf32> -> vector<1000x16xf32>
    %add3A_9 = arith.addf %add3A, %concatenate3A_8 : vector<1000x16xf32>
    %broadcast_in_dim3A_10 = arith.constant 0.000000e+00 : f32
    %broadcast_in_dim3A_11 = vector.broadcast %broadcast_in_dim3A_10 : f32 to vector<4x16xf32>
    %slice3A_12 = vector.extract_strided_slice %add3A_9 {offsets = [0, 0], sizes = [996, 16], strides = [1, 1]} : vector<1000x16xf32> to vector<996x16xf32>
    %concatenate3A_13 = tpu.concatenate %broadcast_in_dim3A_11, %slice3A_12 in 0 : vector<4x16xf32>, vector<996x16xf32> -> vector<1000x16xf32>
    %add3A_14 = arith.addf %add3A_9, %concatenate3A_13 : vector<1000x16xf32>
    %broadcast_in_dim3A_15 = arith.constant 0.000000e+00 : f32
    %broadcast_in_dim3A_16 = vector.broadcast %broadcast_in_dim3A_15 : f32 to vector<8x16xf32>
    %slice3A_17 = vector.extract_strided_slice %add3A_14 {offsets = [0, 0], sizes = [992, 16], strides = [1, 1]} : vector<1000x16xf32> to vector<992x16xf32>
    %concatenate3A_18 = tpu.concatenate %broadcast_in_dim3A_16, %slice3A_17 in 0 : vector<8x16xf32>, vector<992x16xf32> -> vector<1000x16xf32>
    %add3A_19 = arith.addf %add3A_14, %concatenate3A_18 : vector<1000x16xf32>
    %broadcast_in_dim3A_20 = arith.constant 0.000000e+00 : f32
    %broadcast_in_dim3A_21 = vector.broadcast %broadcast_in_dim3A_20 : f32 to vector<16x16xf32>
    %slice3A_22 = vector.extract_strided_slice %add3A_19 {offsets = [0, 0], sizes = [984, 16], strides = [1, 1]} : vector<1000x16xf32> to vector<984x16xf32>
    %concatenate3A_23 = tpu.concatenate %broadcast_in_dim3A_21, %slice3A_22 in 0 : vector<16x16xf32>, vector<984x16xf32> -> vector<1000x16xf32>
    %add3A_24 = arith.addf %add3A_19, %concatenate3A_23 : vector<1000x16xf32>
    %broadcast_in_dim3A_25 = arith.constant 0.000000e+00 : f32
    %broadcast_in_dim3A_26 = vector.broadcast %broadcast_in_dim3A_25 : f32 to vector<32x16xf32>
    %slice3A_27 = vector.extract_strided_slice %add3A_24 {offsets = [0, 0], sizes = [968, 16], strides = [1, 1]} : vector<1000x16xf32> to vector<968x16xf32>
    %concatenate3A_28 = tpu.concatenate %broadcast_in_dim3A_26, %slice3A_27 in 0 : vector<32x16xf32>, vector<968x16xf32> -> vector<1000x16xf32>
    %add3A_29 = arith.addf %add3A_24, %concatenate3A_28 : vector<1000x16xf32>
    %broadcast_in_dim3A_30 = arith.constant 0.000000e+00 : f32
    %broadcast_in_dim3A_31 = vector.broadcast %broadcast_in_dim3A_30 : f32 to vector<64x16xf32>
    %slice3A_32 = vector.extract_strided_slice %add3A_29 {offsets = [0, 0], sizes = [936, 16], strides = [1, 1]} : vector<1000x16xf32> to vector<936x16xf32>
    %concatenate3A_33 = tpu.concatenate %broadcast_in_dim3A_31, %slice3A_32 in 0 : vector<64x16xf32>, vector<936x16xf32> -> vector<1000x16xf32>
    %add3A_34 = arith.addf %add3A_29, %concatenate3A_33 : vector<1000x16xf32>
    %broadcast_in_dim3A_35 = arith.constant 0.000000e+00 : f32
    %broadcast_in_dim3A_36 = vector.broadcast %broadcast_in_dim3A_35 : f32 to vector<128x16xf32>
    %slice3A_37 = vector.extract_strided_slice %add3A_34 {offsets = [0, 0], sizes = [872, 16], strides = [1, 1]} : vector<1000x16xf32> to vector<872x16xf32>
    %concatenate3A_38 = tpu.concatenate %broadcast_in_dim3A_36, %slice3A_37 in 0 : vector<128x16xf32>, vector<872x16xf32> -> vector<1000x16xf32>
    %add3A_39 = arith.addf %add3A_34, %concatenate3A_38 : vector<1000x16xf32>
    %broadcast_in_dim3A_40 = arith.constant 0.000000e+00 : f32
    %broadcast_in_dim3A_41 = vector.broadcast %broadcast_in_dim3A_40 : f32 to vector<256x16xf32>
    %slice3A_42 = vector.extract_strided_slice %add3A_39 {offsets = [0, 0], sizes = [744, 16], strides = [1, 1]} : vector<1000x16xf32> to vector<744x16xf32>
    %concatenate3A_43 = tpu.concatenate %broadcast_in_dim3A_41, %slice3A_42 in 0 : vector<256x16xf32>, vector<744x16xf32> -> vector<1000x16xf32>
    %add3A_44 = arith.addf %add3A_39, %concatenate3A_43 : vector<1000x16xf32>
    %broadcast_in_dim3A_45 = arith.constant 0.000000e+00 : f32
    %broadcast_in_dim3A_46 = vector.broadcast %broadcast_in_dim3A_45 : f32 to vector<512x16xf32>
    %slice3A_47 = vector.extract_strided_slice %add3A_44 {offsets = [0, 0], sizes = [488, 16], strides = [1, 1]} : vector<1000x16xf32> to vector<488x16xf32>
    %concatenate3A_48 = tpu.concatenate %broadcast_in_dim3A_46, %slice3A_47 in 0 : vector<512x16xf32>, vector<488x16xf32> -> vector<1000x16xf32>
    %add3A_49 = arith.addf %add3A_44, %concatenate3A_48 : vector<1000x16xf32>
    %sub3A = arith.subf %add3A_49, %get3A_3 : vector<1000x16xf32>
    %get3A_50 = arith.constant 0 : index
    %get3A_51 = arith.constant 0 : index
    %get3A_52 = vector.load %arg5[%get3A_50, %get3A_51] : memref<8x128xf32, #tpu.memory_space<vmem>>, vector<1x16xf32>
    %add3A_53 = vector.broadcast %get3A_52 : vector<1x16xf32> to vector<1000x16xf32>
    %add3A_54 = arith.addf %sub3A, %add3A_53 : vector<1000x16xf32>
    %mul3A = arith.mulf %get3A_3, %add3A_54 : vector<1000x16xf32>
    %reshape3A = vector.shape_cast %mul3A : vector<1000x16xf32> to vector<1x1000x16xf32>
    %swap3A = arith.constant 0 : index
    %swap3A_55 = arith.constant 0 : index
    %swap3A_56 = arith.constant 0 : index
    %swap3A_57 = vector.load %arg2[%swap3A, %swap3A_55, %swap3A_56] : memref<1x1000x16xf32, #tpu.memory_space<vmem>>, vector<1x1000x16xf32>
    tpu.vector_store %arg2[%swap3A, %swap3A_55, %swap3A_56], %reshape3A {strides = array<i32>} : memref<1x1000x16xf32, #tpu.memory_space<vmem>>, vector<1x1000x16xf32>,
    %slice3A_58 = vector.extract_strided_slice %add3A_49 {offsets = [999, 0], sizes = [1, 16], strides = [1, 1]} : vector<1000x16xf32> to vector<1x16xf32>
    %add3A_59 = arith.addf %get3A_52, %slice3A_58 : vector<1x16xf32>
    %swap3A_60 = arith.constant 0 : index
    %swap3A_61 = arith.constant 0 : index
    %swap3A_62 = vector.load %arg5[%swap3A_60, %swap3A_61] : memref<8x128xf32, #tpu.memory_space<vmem>>, vector<1x16xf32>
    tpu.vector_store %arg5[%swap3A_60, %swap3A_61], %add3A_59 {strides = array<i32>} : memref<8x128xf32, #tpu.memory_space<vmem>>, vector<1x16xf32>,
    %eq3A_63 = arith.constant 9 : i32
    %eq3A_64 = arith.cmpi eq, %arg0, %eq3A_63 : i32
    %convert_element_type3A_65 = arith.extui %eq3A_64 : i1 to i32
    %cond3A_66 = arith.constant 0 : i32
    %cond3A_67 = arith.cmpi ne, %convert_element_type3A_65, %cond3A_66 : i32
    scf.if %cond3A_67 {
      %add3A_68 = arith.constant 2.550000e+02 : f32
      %add3A_69 = vector.broadcast %add3A_68 : f32 to vector<1x16xf32>
      %add3A_70 = arith.addf %add3A_59, %add3A_69 : vector<1x16xf32>
      %mul3A_71 = arith.constant 3.906250e-03 : f32
      %mul3A_72 = vector.broadcast %mul3A_71 : f32 to vector<1x16xf32>
      %mul3A_73 = arith.mulf %add3A_70, %mul3A_72 : vector<1x16xf32>
      %floor3A = math.floor %mul3A_73 : vector<1x16xf32>
      %broadcast_in_dim3A_74 = arith.constant 0.000000e+00 : f32
      %broadcast_in_dim3A_75 = vector.broadcast %broadcast_in_dim3A_74 : f32 to vector<1x1xf32>
      %slice3A_76 = vector.extract_strided_slice %floor3A {offsets = [0, 0], sizes = [1, 15], strides = [1, 1]} : vector<1x16xf32> to vector<1x15xf32>
      %concatenate3A_77 = tpu.concatenate %broadcast_in_dim3A_75, %slice3A_76 in 1 : vector<1x1xf32>, vector<1x15xf32> -> vector<1x16xf32>
      %add3A_78 = arith.addf %floor3A, %concatenate3A_77 : vector<1x16xf32>
      %broadcast_in_dim3A_79 = arith.constant 0.000000e+00 : f32
      %broadcast_in_dim3A_80 = vector.broadcast %broadcast_in_dim3A_79 : f32 to vector<1x2xf32>
      %slice3A_81 = vector.extract_strided_slice %add3A_78 {offsets = [0, 0], sizes = [1, 14], strides = [1, 1]} : vector<1x16xf32> to vector<1x14xf32>
      %concatenate3A_82 = tpu.concatenate %broadcast_in_dim3A_80, %slice3A_81 in 1 : vector<1x2xf32>, vector<1x14xf32> -> vector<1x16xf32>
      %add3A_83 = arith.addf %add3A_78, %concatenate3A_82 : vector<1x16xf32>
      %broadcast_in_dim3A_84 = arith.constant 0.000000e+00 : f32
      %broadcast_in_dim3A_85 = vector.broadcast %broadcast_in_dim3A_84 : f32 to vector<1x4xf32>
      %slice3A_86 = vector.extract_strided_slice %add3A_83 {offsets = [0, 0], sizes = [1, 12], strides = [1, 1]} : vector<1x16xf32> to vector<1x12xf32>
      %concatenate3A_87 = tpu.concatenate %broadcast_in_dim3A_85, %slice3A_86 in 1 : vector<1x4xf32>, vector<1x12xf32> -> vector<1x16xf32>
      %add3A_88 = arith.addf %add3A_83, %concatenate3A_87 : vector<1x16xf32>
      %broadcast_in_dim3A_89 = arith.constant 0.000000e+00 : f32
      %broadcast_in_dim3A_90 = vector.broadcast %broadcast_in_dim3A_89 : f32 to vector<1x8xf32>
      %slice3A_91 = vector.extract_strided_slice %add3A_88 {offsets = [0, 0], sizes = [1, 8], strides = [1, 1]} : vector<1x16xf32> to vector<1x8xf32>
      %concatenate3A_92 = tpu.concatenate %broadcast_in_dim3A_90, %slice3A_91 in 1 : vector<1x8xf32>, vector<1x8xf32> -> vector<1x16xf32>
      %add3A_93 = arith.addf %add3A_88, %concatenate3A_92 : vector<1x16xf32>
      %sub3A_94 = arith.subf %add3A_93, %floor3A : vector<1x16xf32>
      %mul3A_95 = arith.constant 2.560000e+02 : f32
      %mul3A_96 = vector.broadcast %mul3A_95 : f32 to vector<1x16xf32>
      %mul3A_97 = arith.mulf %sub3A_94, %mul3A_96 : vector<1x16xf32>
      %jit3A = arith.constant 0 : i32
      %convert_element_type3A_98 = arith.sitofp %jit3A : i32 to f32
      %pad3A = vector.broadcast %convert_element_type3A_98 : f32 to vector<1x112xf32>
      %pad3A_99 = tpu.concatenate %mul3A_97, %pad3A in 1 : vector<1x16xf32>, vector<1x112xf32> -> vector<1x128xf32>
      %swap3A_100 = arith.constant 0 : index
      %swap3A_101 = arith.constant 0 : index
      %swap3A_102 = vector.load %arg3[%swap3A_100, %swap3A_101] : memref<1x128xf32, #tpu.memory_space<vmem>>, vector<1x128xf32>
      tpu.vector_store %arg3[%swap3A_100, %swap3A_101], %pad3A_99 {strides = array<i32>} : memref<1x128xf32, #tpu.memory_space<vmem>>, vector<1x128xf32>,
      %iota3A = tpu.iota {dimensions = array<i32: 1>} : vector<1x16xi32>
      %convert_element_type3A_103 = arith.sitofp %iota3A : vector<1x16xi32> to vector<1x16xf32>
      %iota3A_104 = tpu.iota {dimensions = array<i32: 1>} : vector<1x128xi32>
      %convert_element_type3A_105 = arith.sitofp %iota3A_104 : vector<1x128xi32> to vector<1x128xf32>
      %broadcast_in_dim3A_106 = arith.constant 1.000000e+00 : f32
      %broadcast_in_dim3A_107 = vector.broadcast %broadcast_in_dim3A_106 : f32 to vector<1x128xf32>
      %neg3A = arith.constant 0.000000e+00 : f32
      %neg3A_108 = vector.broadcast %neg3A : f32 to vector<1x128xf32>
      %neg3A_109 = arith.subf %neg3A_108, %broadcast_in_dim3A_107 : vector<1x128xf32>
      %eq3A_110 = arith.constant 0.000000e+00 : f32
      %eq3A_111 = vector.broadcast %eq3A_110 : f32 to vector<1x16xf32>
      %eq3A_112 = arith.cmpf oeq, %convert_element_type3A_103, %eq3A_111 : vector<1x16xf32>
      %jit3A_113 = arith.constant 0.000000e+00 : f32
      %broadcast_in_dim3A_114 = vector.broadcast %jit3A_113 : f32 to vector<1x16xf32>
      %select_n3A = arith.select %eq3A_112, %sub3A_94, %broadcast_in_dim3A_114 : vector<1x16xi1>, vector<1x16xf32>
      %reduce_sum3A = arith.constant dense<0.000000e+00> : vector<1xf32>
      %reduce_sum3A_115 = vector.multi_reduction <add>, %select_n3A, %reduce_sum3A [1] : vector<1x16xf32> to vector<1xf32>
      %broadcast_in_dim3A_116 = vector.shape_cast %reduce_sum3A_115 : vector<1xf32> to vector<1x1xf32>
      %ge3A = vector.broadcast %broadcast_in_dim3A_116 : vector<1x1xf32> to vector<1x128xf32>
      %ge3A_117 = arith.cmpf oge, %convert_element_type3A_105, %ge3A : vector<1x128xf32>
      %convert_element_type3A_118 = arith.extui %ge3A_117 : vector<1x128xi1> to vector<1x128xi32>
      %convert_element_type3A_119 = arith.sitofp %convert_element_type3A_118 : vector<1x128xi32> to vector<1x128xf32>
      %add3A_120 = arith.addf %neg3A_109, %convert_element_type3A_119 : vector<1x128xf32>
      %eq3A_121 = arith.constant 1.000000e+00 : f32
      %eq3A_122 = vector.broadcast %eq3A_121 : f32 to vector<1x16xf32>
      %eq3A_123 = arith.cmpf oeq, %convert_element_type3A_103, %eq3A_122 : vector<1x16xf32>
      %jit3A_124 = arith.constant 0.000000e+00 : f32
      %broadcast_in_dim3A_125 = vector.broadcast %jit3A_124 : f32 to vector<1x16xf32>
      %select_n3A_126 = arith.select %eq3A_123, %sub3A_94, %broadcast_in_dim3A_125 : vector<1x16xi1>, vector<1x16xf32>
      %reduce_sum3A_127 = arith.constant dense<0.000000e+00> : vector<1xf32>
      %reduce_sum3A_128 = vector.multi_reduction <add>, %select_n3A_126, %reduce_sum3A_127 [1] : vector<1x16xf32> to vector<1xf32>
      %broadcast_in_dim3A_129 = vector.shape_cast %reduce_sum3A_128 : vector<1xf32> to vector<1x1xf32>
      %ge3A_130 = vector.broadcast %broadcast_in_dim3A_129 : vector<1x1xf32> to vector<1x128xf32>
      %ge3A_131 = arith.cmpf oge, %convert_element_type3A_105, %ge3A_130 : vector<1x128xf32>
      %convert_element_type3A_132 = arith.extui %ge3A_131 : vector<1x128xi1> to vector<1x128xi32>
      %convert_element_type3A_133 = arith.sitofp %convert_element_type3A_132 : vector<1x128xi32> to vector<1x128xf32>
      %add3A_134 = arith.addf %add3A_120, %convert_element_type3A_133 : vector<1x128xf32>
      %eq3A_135 = arith.constant 2.000000e+00 : f32
      %eq3A_136 = vector.broadcast %eq3A_135 : f32 to vector<1x16xf32>
      %eq3A_137 = arith.cmpf oeq, %convert_element_type3A_103, %eq3A_136 : vector<1x16xf32>
      %jit3A_138 = arith.constant 0.000000e+00 : f32
      %broadcast_in_dim3A_139 = vector.broadcast %jit3A_138 : f32 to vector<1x16xf32>
      %select_n3A_140 = arith.select %eq3A_137, %sub3A_94, %broadcast_in_dim3A_139 : vector<1x16xi1>, vector<1x16xf32>
      %reduce_sum3A_141 = arith.constant dense<0.000000e+00> : vector<1xf32>
      %reduce_sum3A_142 = vector.multi_reduction <add>, %select_n3A_140, %reduce_sum3A_141 [1] : vector<1x16xf32> to vector<1xf32>
      %broadcast_in_dim3A_143 = vector.shape_cast %reduce_sum3A_142 : vector<1xf32> to vector<1x1xf32>
      %ge3A_144 = vector.broadcast %broadcast_in_dim3A_143 : vector<1x1xf32> to vector<1x128xf32>
      %ge3A_145 = arith.cmpf oge, %convert_element_type3A_105, %ge3A_144 : vector<1x128xf32>
      %convert_element_type3A_146 = arith.extui %ge3A_145 : vector<1x128xi1> to vector<1x128xi32>
      %convert_element_type3A_147 = arith.sitofp %convert_element_type3A_146 : vector<1x128xi32> to vector<1x128xf32>
      %add3A_148 = arith.addf %add3A_134, %convert_element_type3A_147 : vector<1x128xf32>
      %eq3A_149 = arith.constant 3.000000e+00 : f32
      %eq3A_150 = vector.broadcast %eq3A_149 : f32 to vector<1x16xf32>
      %eq3A_151 = arith.cmpf oeq, %convert_element_type3A_103, %eq3A_150 : vector<1x16xf32>
      %jit3A_152 = arith.constant 0.000000e+00 : f32
      %broadcast_in_dim3A_153 = vector.broadcast %jit3A_152 : f32 to vector<1x16xf32>
      %select_n3A_154 = arith.select %eq3A_151, %sub3A_94, %broadcast_in_dim3A_153 : vector<1x16xi1>, vector<1x16xf32>
      %reduce_sum3A_155 = arith.constant dense<0.000000e+00> : vector<1xf32>
      %reduce_sum3A_156 = vector.multi_reduction <add>, %select_n3A_154, %reduce_sum3A_155 [1] : vector<1x16xf32> to vector<1xf32>
      %broadcast_in_dim3A_157 = vector.shape_cast %reduce_sum3A_156 : vector<1xf32> to vector<1x1xf32>
      %ge3A_158 = vector.broadcast %broadcast_in_dim3A_157 : vector<1x1xf32> to vector<1x128xf32>
      %ge3A_159 = arith.cmpf oge, %convert_element_type3A_105, %ge3A_158 : vector<1x128xf32>
      %convert_element_type3A_160 = arith.extui %ge3A_159 : vector<1x128xi1> to vector<1x128xi32>
      %convert_element_type3A_161 = arith.sitofp %convert_element_type3A_160 : vector<1x128xi32> to vector<1x128xf32>
      %add3A_162 = arith.addf %add3A_148, %convert_element_type3A_161 : vector<1x128xf32>
      %eq3A_163 = arith.constant 4.000000e+00 : f32
      %eq3A_164 = vector.broadcast %eq3A_163 : f32 to vector<1x16xf32>
      %eq3A_165 = arith.cmpf oeq, %convert_element_type3A_103, %eq3A_164 : vector<1x16xf32>
      %jit3A_166 = arith.constant 0.000000e+00 : f32
      %broadcast_in_dim3A_167 = vector.broadcast %jit3A_166 : f32 to vector<1x16xf32>
      %select_n3A_168 = arith.select %eq3A_165, %sub3A_94, %broadcast_in_dim3A_167 : vector<1x16xi1>, vector<1x16xf32>
      %reduce_sum3A_169 = arith.constant dense<0.000000e+00> : vector<1xf32>
      %reduce_sum3A_170 = vector.multi_reduction <add>, %select_n3A_168, %reduce_sum3A_169 [1] : vector<1x16xf32> to vector<1xf32>
      %broadcast_in_dim3A_171 = vector.shape_cast %reduce_sum3A_170 : vector<1xf32> to vector<1x1xf32>
      %ge3A_172 = vector.broadcast %broadcast_in_dim3A_171 : vector<1x1xf32> to vector<1x128xf32>
      %ge3A_173 = arith.cmpf oge, %convert_element_type3A_105, %ge3A_172 : vector<1x128xf32>
      %convert_element_type3A_174 = arith.extui %ge3A_173 : vector<1x128xi1> to vector<1x128xi32>
      %convert_element_type3A_175 = arith.sitofp %convert_element_type3A_174 : vector<1x128xi32> to vector<1x128xf32>
      %add3A_176 = arith.addf %add3A_162, %convert_element_type3A_175 : vector<1x128xf32>
      %eq3A_177 = arith.constant 5.000000e+00 : f32
      %eq3A_178 = vector.broadcast %eq3A_177 : f32 to vector<1x16xf32>
      %eq3A_179 = arith.cmpf oeq, %convert_element_type3A_103, %eq3A_178 : vector<1x16xf32>
      %jit3A_180 = arith.constant 0.000000e+00 : f32
      %broadcast_in_dim3A_181 = vector.broadcast %jit3A_180 : f32 to vector<1x16xf32>
      %select_n3A_182 = arith.select %eq3A_179, %sub3A_94, %broadcast_in_dim3A_181 : vector<1x16xi1>, vector<1x16xf32>
      %reduce_sum3A_183 = arith.constant dense<0.000000e+00> : vector<1xf32>
      %reduce_sum3A_184 = vector.multi_reduction <add>, %select_n3A_182, %reduce_sum3A_183 [1] : vector<1x16xf32> to vector<1xf32>
      %broadcast_in_dim3A_185 = vector.shape_cast %reduce_sum3A_184 : vector<1xf32> to vector<1x1xf32>
      %ge3A_186 = vector.broadcast %broadcast_in_dim3A_185 : vector<1x1xf32> to vector<1x128xf32>
      %ge3A_187 = arith.cmpf oge, %convert_element_type3A_105, %ge3A_186 : vector<1x128xf32>
      %convert_element_type3A_188 = arith.extui %ge3A_187 : vector<1x128xi1> to vector<1x128xi32>
      %convert_element_type3A_189 = arith.sitofp %convert_element_type3A_188 : vector<1x128xi32> to vector<1x128xf32>
      %add3A_190 = arith.addf %add3A_176, %convert_element_type3A_189 : vector<1x128xf32>
      %eq3A_191 = arith.constant 6.000000e+00 : f32
      %eq3A_192 = vector.broadcast %eq3A_191 : f32 to vector<1x16xf32>
      %eq3A_193 = arith.cmpf oeq, %convert_element_type3A_103, %eq3A_192 : vector<1x16xf32>
      %jit3A_194 = arith.constant 0.000000e+00 : f32
      %broadcast_in_dim3A_195 = vector.broadcast %jit3A_194 : f32 to vector<1x16xf32>
      %select_n3A_196 = arith.select %eq3A_193, %sub3A_94, %broadcast_in_dim3A_195 : vector<1x16xi1>, vector<1x16xf32>
      %reduce_sum3A_197 = arith.constant dense<0.000000e+00> : vector<1xf32>
      %reduce_sum3A_198 = vector.multi_reduction <add>, %select_n3A_196, %reduce_sum3A_197 [1] : vector<1x16xf32> to vector<1xf32>
      %broadcast_in_dim3A_199 = vector.shape_cast %reduce_sum3A_198 : vector<1xf32> to vector<1x1xf32>
      %ge3A_200 = vector.broadcast %broadcast_in_dim3A_199 : vector<1x1xf32> to vector<1x128xf32>
      %ge3A_201 = arith.cmpf oge, %convert_element_type3A_105, %ge3A_200 : vector<1x128xf32>
      %convert_element_type3A_202 = arith.extui %ge3A_201 : vector<1x128xi1> to vector<1x128xi32>
      %convert_element_type3A_203 = arith.sitofp %convert_element_type3A_202 : vector<1x128xi32> to vector<1x128xf32>
      %add3A_204 = arith.addf %add3A_190, %convert_element_type3A_203 : vector<1x128xf32>
      %eq3A_205 = arith.constant 7.000000e+00 : f32
      %eq3A_206 = vector.broadcast %eq3A_205 : f32 to vector<1x16xf32>
      %eq3A_207 = arith.cmpf oeq, %convert_element_type3A_103, %eq3A_206 : vector<1x16xf32>
      %jit3A_208 = arith.constant 0.000000e+00 : f32
      %broadcast_in_dim3A_209 = vector.broadcast %jit3A_208 : f32 to vector<1x16xf32>
      %select_n3A_210 = arith.select %eq3A_207, %sub3A_94, %broadcast_in_dim3A_209 : vector<1x16xi1>, vector<1x16xf32>
      %reduce_sum3A_211 = arith.constant dense<0.000000e+00> : vector<1xf32>
      %reduce_sum3A_212 = vector.multi_reduction <add>, %select_n3A_210, %reduce_sum3A_211 [1] : vector<1x16xf32> to vector<1xf32>
      %broadcast_in_dim3A_213 = vector.shape_cast %reduce_sum3A_212 : vector<1xf32> to vector<1x1xf32>
      %ge3A_214 = vector.broadcast %broadcast_in_dim3A_213 : vector<1x1xf32> to vector<1x128xf32>
      %ge3A_215 = arith.cmpf oge, %convert_element_type3A_105, %ge3A_214 : vector<1x128xf32>
      %convert_element_type3A_216 = arith.extui %ge3A_215 : vector<1x128xi1> to vector<1x128xi32>
      %convert_element_type3A_217 = arith.sitofp %convert_element_type3A_216 : vector<1x128xi32> to vector<1x128xf32>
      %add3A_218 = arith.addf %add3A_204, %convert_element_type3A_217 : vector<1x128xf32>
      %eq3A_219 = arith.constant 8.000000e+00 : f32
      %eq3A_220 = vector.broadcast %eq3A_219 : f32 to vector<1x16xf32>
      %eq3A_221 = arith.cmpf oeq, %convert_element_type3A_103, %eq3A_220 : vector<1x16xf32>
      %jit3A_222 = arith.constant 0.000000e+00 : f32
      %broadcast_in_dim3A_223 = vector.broadcast %jit3A_222 : f32 to vector<1x16xf32>
      %select_n3A_224 = arith.select %eq3A_221, %sub3A_94, %broadcast_in_dim3A_223 : vector<1x16xi1>, vector<1x16xf32>
      %reduce_sum3A_225 = arith.constant dense<0.000000e+00> : vector<1xf32>
      %reduce_sum3A_226 = vector.multi_reduction <add>, %select_n3A_224, %reduce_sum3A_225 [1] : vector<1x16xf32> to vector<1xf32>
      %broadcast_in_dim3A_227 = vector.shape_cast %reduce_sum3A_226 : vector<1xf32> to vector<1x1xf32>
      %ge3A_228 = vector.broadcast %broadcast_in_dim3A_227 : vector<1x1xf32> to vector<1x128xf32>
      %ge3A_229 = arith.cmpf oge, %convert_element_type3A_105, %ge3A_228 : vector<1x128xf32>
      %convert_element_type3A_230 = arith.extui %ge3A_229 : vector<1x128xi1> to vector<1x128xi32>
      %convert_element_type3A_231 = arith.sitofp %convert_element_type3A_230 : vector<1x128xi32> to vector<1x128xf32>
      %add3A_232 = arith.addf %add3A_218, %convert_element_type3A_231 : vector<1x128xf32>
      %eq3A_233 = arith.constant 9.000000e+00 : f32
      %eq3A_234 = vector.broadcast %eq3A_233 : f32 to vector<1x16xf32>
      %eq3A_235 = arith.cmpf oeq, %convert_element_type3A_103, %eq3A_234 : vector<1x16xf32>
      %jit3A_236 = arith.constant 0.000000e+00 : f32
      %broadcast_in_dim3A_237 = vector.broadcast %jit3A_236 : f32 to vector<1x16xf32>
      %select_n3A_238 = arith.select %eq3A_235, %sub3A_94, %broadcast_in_dim3A_237 : vector<1x16xi1>, vector<1x16xf32>
      %reduce_sum3A_239 = arith.constant dense<0.000000e+00> : vector<1xf32>
      %reduce_sum3A_240 = vector.multi_reduction <add>, %select_n3A_238, %reduce_sum3A_239 [1] : vector<1x16xf32> to vector<1xf32>
      %broadcast_in_dim3A_241 = vector.shape_cast %reduce_sum3A_240 : vector<1xf32> to vector<1x1xf32>
      %ge3A_242 = vector.broadcast %broadcast_in_dim3A_241 : vector<1x1xf32> to vector<1x128xf32>
      %ge3A_243 = arith.cmpf oge, %convert_element_type3A_105, %ge3A_242 : vector<1x128xf32>
      %convert_element_type3A_244 = arith.extui %ge3A_243 : vector<1x128xi1> to vector<1x128xi32>
      %convert_element_type3A_245 = arith.sitofp %convert_element_type3A_244 : vector<1x128xi32> to vector<1x128xf32>
      %add3A_246 = arith.addf %add3A_232, %convert_element_type3A_245 : vector<1x128xf32>
      %eq3A_247 = arith.constant 1.000000e+01 : f32
      %eq3A_248 = vector.broadcast %eq3A_247 : f32 to vector<1x16xf32>
      %eq3A_249 = arith.cmpf oeq, %convert_element_type3A_103, %eq3A_248 : vector<1x16xf32>
      %jit3A_250 = arith.constant 0.000000e+00 : f32
      %broadcast_in_dim3A_251 = vector.broadcast %jit3A_250 : f32 to vector<1x16xf32>
      %select_n3A_252 = arith.select %eq3A_249, %sub3A_94, %broadcast_in_dim3A_251 : vector<1x16xi1>, vector<1x16xf32>
      %reduce_sum3A_253 = arith.constant dense<0.000000e+00> : vector<1xf32>
      %reduce_sum3A_254 = vector.multi_reduction <add>, %select_n3A_252, %reduce_sum3A_253 [1] : vector<1x16xf32> to vector<1xf32>
      %broadcast_in_dim3A_255 = vector.shape_cast %reduce_sum3A_254 : vector<1xf32> to vector<1x1xf32>
      %ge3A_256 = vector.broadcast %broadcast_in_dim3A_255 : vector<1x1xf32> to vector<1x128xf32>
      %ge3A_257 = arith.cmpf oge, %convert_element_type3A_105, %ge3A_256 : vector<1x128xf32>
      %convert_element_type3A_258 = arith.extui %ge3A_257 : vector<1x128xi1> to vector<1x128xi32>
      %convert_element_type3A_259 = arith.sitofp %convert_element_type3A_258 : vector<1x128xi32> to vector<1x128xf32>
      %add3A_260 = arith.addf %add3A_246, %convert_element_type3A_259 : vector<1x128xf32>
      %eq3A_261 = arith.constant 1.100000e+01 : f32
      %eq3A_262 = vector.broadcast %eq3A_261 : f32 to vector<1x16xf32>
      %eq3A_263 = arith.cmpf oeq, %convert_element_type3A_103, %eq3A_262 : vector<1x16xf32>
      %jit3A_264 = arith.constant 0.000000e+00 : f32
      %broadcast_in_dim3A_265 = vector.broadcast %jit3A_264 : f32 to vector<1x16xf32>
      %select_n3A_266 = arith.select %eq3A_263, %sub3A_94, %broadcast_in_dim3A_265 : vector<1x16xi1>, vector<1x16xf32>
      %reduce_sum3A_267 = arith.constant dense<0.000000e+00> : vector<1xf32>
      %reduce_sum3A_268 = vector.multi_reduction <add>, %select_n3A_266, %reduce_sum3A_267 [1] : vector<1x16xf32> to vector<1xf32>
      %broadcast_in_dim3A_269 = vector.shape_cast %reduce_sum3A_268 : vector<1xf32> to vector<1x1xf32>
      %ge3A_270 = vector.broadcast %broadcast_in_dim3A_269 : vector<1x1xf32> to vector<1x128xf32>
      %ge3A_271 = arith.cmpf oge, %convert_element_type3A_105, %ge3A_270 : vector<1x128xf32>
      %convert_element_type3A_272 = arith.extui %ge3A_271 : vector<1x128xi1> to vector<1x128xi32>
      %convert_element_type3A_273 = arith.sitofp %convert_element_type3A_272 : vector<1x128xi32> to vector<1x128xf32>
      %add3A_274 = arith.addf %add3A_260, %convert_element_type3A_273 : vector<1x128xf32>
      %eq3A_275 = arith.constant 1.200000e+01 : f32
      %eq3A_276 = vector.broadcast %eq3A_275 : f32 to vector<1x16xf32>
      %eq3A_277 = arith.cmpf oeq, %convert_element_type3A_103, %eq3A_276 : vector<1x16xf32>
      %jit3A_278 = arith.constant 0.000000e+00 : f32
      %broadcast_in_dim3A_279 = vector.broadcast %jit3A_278 : f32 to vector<1x16xf32>
      %select_n3A_280 = arith.select %eq3A_277, %sub3A_94, %broadcast_in_dim3A_279 : vector<1x16xi1>, vector<1x16xf32>
      %reduce_sum3A_281 = arith.constant dense<0.000000e+00> : vector<1xf32>
      %reduce_sum3A_282 = vector.multi_reduction <add>, %select_n3A_280, %reduce_sum3A_281 [1] : vector<1x16xf32> to vector<1xf32>
      %broadcast_in_dim3A_283 = vector.shape_cast %reduce_sum3A_282 : vector<1xf32> to vector<1x1xf32>
      %ge3A_284 = vector.broadcast %broadcast_in_dim3A_283 : vector<1x1xf32> to vector<1x128xf32>
      %ge3A_285 = arith.cmpf oge, %convert_element_type3A_105, %ge3A_284 : vector<1x128xf32>
      %convert_element_type3A_286 = arith.extui %ge3A_285 : vector<1x128xi1> to vector<1x128xi32>
      %convert_element_type3A_287 = arith.sitofp %convert_element_type3A_286 : vector<1x128xi32> to vector<1x128xf32>
      %add3A_288 = arith.addf %add3A_274, %convert_element_type3A_287 : vector<1x128xf32>
      %eq3A_289 = arith.constant 1.300000e+01 : f32
      %eq3A_290 = vector.broadcast %eq3A_289 : f32 to vector<1x16xf32>
      %eq3A_291 = arith.cmpf oeq, %convert_element_type3A_103, %eq3A_290 : vector<1x16xf32>
      %jit3A_292 = arith.constant 0.000000e+00 : f32
      %broadcast_in_dim3A_293 = vector.broadcast %jit3A_292 : f32 to vector<1x16xf32>
      %select_n3A_294 = arith.select %eq3A_291, %sub3A_94, %broadcast_in_dim3A_293 : vector<1x16xi1>, vector<1x16xf32>
      %reduce_sum3A_295 = arith.constant dense<0.000000e+00> : vector<1xf32>
      %reduce_sum3A_296 = vector.multi_reduction <add>, %select_n3A_294, %reduce_sum3A_295 [1] : vector<1x16xf32> to vector<1xf32>
      %broadcast_in_dim3A_297 = vector.shape_cast %reduce_sum3A_296 : vector<1xf32> to vector<1x1xf32>
      %ge3A_298 = vector.broadcast %broadcast_in_dim3A_297 : vector<1x1xf32> to vector<1x128xf32>
      %ge3A_299 = arith.cmpf oge, %convert_element_type3A_105, %ge3A_298 : vector<1x128xf32>
      %convert_element_type3A_300 = arith.extui %ge3A_299 : vector<1x128xi1> to vector<1x128xi32>
      %convert_element_type3A_301 = arith.sitofp %convert_element_type3A_300 : vector<1x128xi32> to vector<1x128xf32>
      %add3A_302 = arith.addf %add3A_288, %convert_element_type3A_301 : vector<1x128xf32>
      %eq3A_303 = arith.constant 1.400000e+01 : f32
      %eq3A_304 = vector.broadcast %eq3A_303 : f32 to vector<1x16xf32>
      %eq3A_305 = arith.cmpf oeq, %convert_element_type3A_103, %eq3A_304 : vector<1x16xf32>
      %jit3A_306 = arith.constant 0.000000e+00 : f32
      %broadcast_in_dim3A_307 = vector.broadcast %jit3A_306 : f32 to vector<1x16xf32>
      %select_n3A_308 = arith.select %eq3A_305, %sub3A_94, %broadcast_in_dim3A_307 : vector<1x16xi1>, vector<1x16xf32>
      %reduce_sum3A_309 = arith.constant dense<0.000000e+00> : vector<1xf32>
      %reduce_sum3A_310 = vector.multi_reduction <add>, %select_n3A_308, %reduce_sum3A_309 [1] : vector<1x16xf32> to vector<1xf32>
      %broadcast_in_dim3A_311 = vector.shape_cast %reduce_sum3A_310 : vector<1xf32> to vector<1x1xf32>
      %ge3A_312 = vector.broadcast %broadcast_in_dim3A_311 : vector<1x1xf32> to vector<1x128xf32>
      %ge3A_313 = arith.cmpf oge, %convert_element_type3A_105, %ge3A_312 : vector<1x128xf32>
      %convert_element_type3A_314 = arith.extui %ge3A_313 : vector<1x128xi1> to vector<1x128xi32>
      %convert_element_type3A_315 = arith.sitofp %convert_element_type3A_314 : vector<1x128xi32> to vector<1x128xf32>
      %add3A_316 = arith.addf %add3A_302, %convert_element_type3A_315 : vector<1x128xf32>
      %eq3A_317 = arith.constant 1.500000e+01 : f32
      %eq3A_318 = vector.broadcast %eq3A_317 : f32 to vector<1x16xf32>
      %eq3A_319 = arith.cmpf oeq, %convert_element_type3A_103, %eq3A_318 : vector<1x16xf32>
      %jit3A_320 = arith.constant 0.000000e+00 : f32
      %broadcast_in_dim3A_321 = vector.broadcast %jit3A_320 : f32 to vector<1x16xf32>
      %select_n3A_322 = arith.select %eq3A_319, %sub3A_94, %broadcast_in_dim3A_321 : vector<1x16xi1>, vector<1x16xf32>
      %reduce_sum3A_323 = arith.constant dense<0.000000e+00> : vector<1xf32>
      %reduce_sum3A_324 = vector.multi_reduction <add>, %select_n3A_322, %reduce_sum3A_323 [1] : vector<1x16xf32> to vector<1xf32>
      %broadcast_in_dim3A_325 = vector.shape_cast %reduce_sum3A_324 : vector<1xf32> to vector<1x1xf32>
      %ge3A_326 = vector.broadcast %broadcast_in_dim3A_325 : vector<1x1xf32> to vector<1x128xf32>
      %ge3A_327 = arith.cmpf oge, %convert_element_type3A_105, %ge3A_326 : vector<1x128xf32>
      %convert_element_type3A_328 = arith.extui %ge3A_327 : vector<1x128xi1> to vector<1x128xi32>
      %convert_element_type3A_329 = arith.sitofp %convert_element_type3A_328 : vector<1x128xi32> to vector<1x128xf32>
      %add3A_330 = arith.addf %add3A_316, %convert_element_type3A_329 : vector<1x128xf32>
      %jit3A_331 = arith.constant 0 : i32
      %jit3A_332 = arith.constant 15 : i32
      %convert_element_type3A_333 = arith.sitofp %jit3A_331 : i32 to f32
      %max3A = vector.broadcast %convert_element_type3A_333 : f32 to vector<1x128xf32>
      %max3A_334 = arith.maximumf %max3A, %add3A_330 : vector<1x128xf32>
      %convert_element_type3A_335 = arith.sitofp %jit3A_332 : i32 to f32
      %min3A = vector.broadcast %convert_element_type3A_335 : f32 to vector<1x128xf32>
      %min3A_336 = arith.minimumf %min3A, %max3A_334 : vector<1x128xf32>
      %convert_element_type3A_337 = arith.fptosi %min3A_336 : vector<1x128xf32> to vector<1x128xi32>
      %swap3A_338 = arith.constant 0 : index
      %swap3A_339 = arith.constant 0 : index
      %swap3A_340 = vector.load %arg4[%swap3A_338, %swap3A_339] : memref<1x128xi32, #tpu.memory_space<vmem>>, vector<1x128xi32>
      tpu.vector_store %arg4[%swap3A_338, %swap3A_339], %convert_element_type3A_337 {strides = array<i32>} : memref<1x128xi32, #tpu.memory_space<vmem>>, vector<1x128xi32>,
    } else {
    }
    return
  }
  func.func @transform_0(%arg0: i32) -> (i32, i32) {
    %c0_i32 = arith.constant 0 : i32
    %c0_i32_0 = arith.constant 0 : i32
    return %arg0, %c0_i32 : i32, i32
  }
  func.func @transform_1(%arg0: i32) -> (i32, i32, i32) {
    %c0_i32 = arith.constant 0 : i32
    %c0_i32_0 = arith.constant 0 : i32
    %c0_i32_1 = arith.constant 0 : i32
    return %arg0, %c0_i32, %c0_i32_0 : i32, i32, i32
  }
  func.func @transform_2(%arg0: i32) -> (i32, i32) {
    %c0_i32 = arith.constant 0 : i32
    %c0_i32_0 = arith.constant 0 : i32
    %c0_i32_1 = arith.constant 0 : i32
    return %c0_i32, %c0_i32_0 : i32, i32
  }
  func.func @transform_3(%arg0: i32) -> (i32, i32) {
    %c0_i32 = arith.constant 0 : i32
    %c0_i32_0 = arith.constant 0 : i32
    %c0_i32_1 = arith.constant 0 : i32
    return %c0_i32, %c0_i32_0 : i32, i32
  }
}

module attributes {stable_mosaic.version = 14 : i64} {
  func.func @_wprep_body(%arg0: memref<16x96x96xf32, #tpu.memory_space<vmem>>, %arg1: memref<16x96x96xf32, #tpu.memory_space<vmem>>, %arg2: memref<16x96x96xf32, #tpu.memory_space<vmem>>, %arg3: memref<16x96x96xf32, #tpu.memory_space<vmem>>, %arg4: memref<16x128x512xbf16, #tpu.memory_space<vmem>>) attributes {dimension_semantics = [], scalar_prefetch = 0 : i64, scratch_operands = 0 : i64, tpu.core_type = #tpu.core_type<tc>} {
    %get3A = arith.constant 0 : index
    %get3A_0 = arith.constant 0 : index
    %get3A_1 = arith.constant 0 : index
    %get3A_2 = vector.load %arg0[%get3A, %get3A_0, %get3A_1] : memref<16x96x96xf32, #tpu.memory_space<vmem>>, vector<16x96x96xf32>
    %mul3A = arith.constant 0.102062076 : f32
    %mul3A_3 = vector.broadcast %mul3A : f32 to vector<16x96x96xf32>
    %mul3A_4 = arith.mulf %get3A_2, %mul3A_3 : vector<16x96x96xf32>
    %jit3A = arith.constant 0 : i32
    %convert_element_type3A = arith.sitofp %jit3A : i32 to f32
    %pad3A = vector.broadcast %convert_element_type3A : f32 to vector<16x96x32xf32>
    %pad3A_5 = tpu.concatenate %mul3A_4, %pad3A in 2 : vector<16x96x96xf32>, vector<16x96x32xf32> -> vector<16x96x128xf32>
    %get3A_6 = arith.constant 0 : index
    %get3A_7 = arith.constant 0 : index
    %get3A_8 = arith.constant 0 : index
    %get3A_9 = vector.load %arg1[%get3A_6, %get3A_7, %get3A_8] : memref<16x96x96xf32, #tpu.memory_space<vmem>>, vector<16x96x96xf32>
    %mul3A_10 = arith.constant 0.102062076 : f32
    %mul3A_11 = vector.broadcast %mul3A_10 : f32 to vector<16x96x96xf32>
    %mul3A_12 = arith.mulf %get3A_9, %mul3A_11 : vector<16x96x96xf32>
    %jit3A_13 = arith.constant 0 : i32
    %convert_element_type3A_14 = arith.sitofp %jit3A_13 : i32 to f32
    %pad3A_15 = vector.broadcast %convert_element_type3A_14 : f32 to vector<16x96x32xf32>
    %pad3A_16 = tpu.concatenate %mul3A_12, %pad3A_15 in 2 : vector<16x96x96xf32>, vector<16x96x32xf32> -> vector<16x96x128xf32>
    %get3A_17 = arith.constant 0 : index
    %get3A_18 = arith.constant 0 : index
    %get3A_19 = arith.constant 0 : index
    %get3A_20 = vector.load %arg2[%get3A_17, %get3A_18, %get3A_19] : memref<16x96x96xf32, #tpu.memory_space<vmem>>, vector<16x96x96xf32>
    %mul3A_21 = arith.constant 0.102062076 : f32
    %mul3A_22 = vector.broadcast %mul3A_21 : f32 to vector<16x96x96xf32>
    %mul3A_23 = arith.mulf %get3A_20, %mul3A_22 : vector<16x96x96xf32>
    %jit3A_24 = arith.constant 0 : i32
    %convert_element_type3A_25 = arith.sitofp %jit3A_24 : i32 to f32
    %pad3A_26 = vector.broadcast %convert_element_type3A_25 : f32 to vector<16x96x32xf32>
    %pad3A_27 = tpu.concatenate %mul3A_23, %pad3A_26 in 2 : vector<16x96x96xf32>, vector<16x96x32xf32> -> vector<16x96x128xf32>
    %get3A_28 = arith.constant 0 : index
    %get3A_29 = arith.constant 0 : index
    %get3A_30 = arith.constant 0 : index
    %get3A_31 = vector.load %arg3[%get3A_28, %get3A_29, %get3A_30] : memref<16x96x96xf32, #tpu.memory_space<vmem>>, vector<16x96x96xf32>
    %mul3A_32 = arith.constant 0.102062076 : f32
    %mul3A_33 = vector.broadcast %mul3A_32 : f32 to vector<16x96x96xf32>
    %mul3A_34 = arith.mulf %get3A_31, %mul3A_33 : vector<16x96x96xf32>
    %jit3A_35 = arith.constant 0 : i32
    %convert_element_type3A_36 = arith.sitofp %jit3A_35 : i32 to f32
    %pad3A_37 = vector.broadcast %convert_element_type3A_36 : f32 to vector<16x96x32xf32>
    %pad3A_38 = tpu.concatenate %mul3A_34, %pad3A_37 in 2 : vector<16x96x96xf32>, vector<16x96x32xf32> -> vector<16x96x128xf32>
    %concatenate3A = tpu.concatenate %pad3A_5, %pad3A_16, %pad3A_27, %pad3A_38 in 2 : vector<16x96x128xf32>, vector<16x96x128xf32>, vector<16x96x128xf32>, vector<16x96x128xf32> -> vector<16x96x512xf32>
    %jit3A_39 = arith.constant 0 : i32
    %convert_element_type3A_40 = arith.sitofp %jit3A_39 : i32 to f32
    %pad3A_41 = vector.broadcast %convert_element_type3A_40 : f32 to vector<16x32x512xf32>
    %pad3A_42 = tpu.concatenate %concatenate3A, %pad3A_41 in 1 : vector<16x96x512xf32>, vector<16x32x512xf32> -> vector<16x128x512xf32>
    %convert_element_type3A_43 = arith.truncf %pad3A_42 : vector<16x128x512xf32> to vector<16x128x512xbf16>
    %swap3A = arith.constant 0 : index
    %swap3A_44 = arith.constant 0 : index
    %swap3A_45 = arith.constant 0 : index
    %swap3A_46 = vector.load %arg4[%swap3A, %swap3A_44, %swap3A_45] : memref<16x128x512xbf16, #tpu.memory_space<vmem>>, vector<16x128x512xbf16>
    tpu.vector_store %arg4[%swap3A, %swap3A_44, %swap3A_45], %convert_element_type3A_43 {strides = array<i32>} : memref<16x128x512xbf16, #tpu.memory_space<vmem>>, vector<16x128x512xbf16>,
    return
  }
}

module attributes {stable_mosaic.version = 14 : i64} {
  func.func @_mm_body(%arg0: i32, %arg1: memref<128xi32, #tpu.memory_space<smem>>, %arg2: memref<256x8x128xi32, #tpu.memory_space<vmem>>, %arg3: memref<1x128x512xbf16, #tpu.memory_space<vmem>>, %arg4: memref<256x8x128xi32, #tpu.memory_space<vmem>>) attributes {dimension_semantics = [#tpu.dimension_semantics<arbitrary>], iteration_bounds = array<i64: 56>, scalar_prefetch = 1 : i64, scratch_operands = 0 : i64, tpu.core_type = #tpu.core_type<tc>, window_params = [{transform_indices = @transform_0, window_bounds = array<i64: 256, 8, 128>}, {transform_indices = @transform_1, window_bounds = array<i64: 1, 128, 512>}, {transform_indices = @transform_2, window_bounds = array<i64: 256, 8, 128>}]} {
    %get3A = arith.constant 0 : index
    %get3A_0 = arith.constant 0 : index
    %get3A_1 = arith.constant 0 : index
    %get3A_2 = vector.load %arg2[%get3A, %get3A_0, %get3A_1] : memref<256x8x128xi32, #tpu.memory_space<vmem>>, vector<256x8x128xi32>
    %bitcast3A = tpu.bitcast %get3A_2 : vector<256x8x128xi32> -> vector<256x16x128xbf16>
    %reshape3A = vector.shape_cast %bitcast3A : vector<256x16x128xbf16> to vector<4096x128xbf16>
    %get3A_3 = arith.constant 0 : index
    %get3A_4 = arith.constant 0 : index
    %get3A_5 = arith.constant 0 : index
    %get3A_6 = vector.load %arg3[%get3A_3, %get3A_4, %get3A_5] : memref<1x128x512xbf16, #tpu.memory_space<vmem>>, vector<1x128x512xbf16>
    %get3A_7 = vector.shape_cast %get3A_6 : vector<1x128x512xbf16> to vector<128x512xbf16>
    %dot_general3A = arith.constant dense<0.000000e+00> : vector<4096x512xf32>
    %dot_general3A_8 = tpu.matmul %reshape3A, %get3A_7, %dot_general3A {dimension_numbers = #tpu.dot_dimension_numbers<[1], [0], [0], [1], [0, 0, 1, 1], [], []>, transpose_lhs_hint = false} : vector<4096x128xbf16>, vector<128x512xbf16>, vector<4096x512xf32> -> vector<4096x512xf32>
    %reshape3A_9 = vector.shape_cast %dot_general3A_8 : vector<4096x512xf32> to vector<256x16x512xf32>
    %slice3A = vector.extract_strided_slice %reshape3A_9 {offsets = [0, 0, 0], sizes = [256, 1, 96], strides = [1, 1, 1]} : vector<256x16x512xf32> to vector<256x1x96xf32>
    %slice3A_10 = vector.extract_strided_slice %reshape3A_9 {offsets = [0, 1, 128], sizes = [256, 3, 96], strides = [1, 1, 1]} : vector<256x16x512xf32> to vector<256x3x96xf32>
    %slice3A_11 = vector.extract_strided_slice %reshape3A_9 {offsets = [0, 4, 256], sizes = [256, 5, 96], strides = [1, 1, 1]} : vector<256x16x512xf32> to vector<256x5x96xf32>
    %slice3A_12 = vector.extract_strided_slice %reshape3A_9 {offsets = [0, 9, 384], sizes = [256, 7, 96], strides = [1, 1, 1]} : vector<256x16x512xf32> to vector<256x7x96xf32>
    %concatenate3A = tpu.concatenate %slice3A, %slice3A_10, %slice3A_11, %slice3A_12 in 1 : vector<256x1x96xf32>, vector<256x3x96xf32>, vector<256x5x96xf32>, vector<256x7x96xf32> -> vector<256x16x96xf32>
    %jit3A = arith.constant 0 : i32
    %convert_element_type3A = arith.sitofp %jit3A : i32 to f32
    %pad3A = vector.broadcast %convert_element_type3A : f32 to vector<256x16x32xf32>
    %pad3A_13 = tpu.concatenate %concatenate3A, %pad3A in 2 : vector<256x16x96xf32>, vector<256x16x32xf32> -> vector<256x16x128xf32>
    %convert_element_type3A_14 = arith.truncf %pad3A_13 : vector<256x16x128xf32> to vector<256x16x128xbf16>
    %bitcast3A_15 = tpu.bitcast %convert_element_type3A_14 : vector<256x16x128xbf16> -> vector<256x8x128xi32>
    %swap3A = arith.constant 0 : index
    %swap3A_16 = arith.constant 0 : index
    %swap3A_17 = arith.constant 0 : index
    %swap3A_18 = vector.load %arg4[%swap3A, %swap3A_16, %swap3A_17] : memref<256x8x128xi32, #tpu.memory_space<vmem>>, vector<256x8x128xi32>
    tpu.vector_store %arg4[%swap3A, %swap3A_16, %swap3A_17], %bitcast3A_15 {strides = array<i32>} : memref<256x8x128xi32, #tpu.memory_space<vmem>>, vector<256x8x128xi32>,
    return
  }
  func.func @transform_0(%arg0: i32, %arg1: memref<128xi32, #tpu.memory_space<smem>>) -> (i32, i32, i32) {
    %c0_i32 = arith.constant 0 : i32
    %c0_i32_0 = arith.constant 0 : i32
    %c0_i32_1 = arith.constant 0 : i32
    return %arg0, %c0_i32, %c0_i32_0 : i32, i32, i32
  }
  func.func @transform_1(%arg0: i32, %arg1: memref<128xi32, #tpu.memory_space<smem>>) -> (i32, i32, i32) {
    %get3A = arith.index_cast %arg0 : i32 to index
    %get3A_0 = memref.load %arg1[%get3A] : memref<128xi32, #tpu.memory_space<smem>>
    %c0_i32 = arith.constant 0 : i32
    %c0_i32_1 = arith.constant 0 : i32
    %c0_i32_2 = arith.constant 0 : i32
    return %get3A_0, %c0_i32, %c0_i32_1 : i32, i32, i32
  }
  func.func @transform_2(%arg0: i32, %arg1: memref<128xi32, #tpu.memory_space<smem>>) -> (i32, i32, i32) {
    %c0_i32 = arith.constant 0 : i32
    %c0_i32_0 = arith.constant 0 : i32
    %c0_i32_1 = arith.constant 0 : i32
    return %arg0, %c0_i32, %c0_i32_0 : i32, i32, i32
  }
}

module attributes {stable_mosaic.version = 14 : i64} {
  func.func @_slice_body(%arg0: i32, %arg1: memref<1000x8x128xi32, #tpu.memory_space<vmem>>, %arg2: memref<1000x16x96xf32, #tpu.memory_space<vmem>>) attributes {dimension_semantics = [#tpu.dimension_semantics<arbitrary>], iteration_bounds = array<i64: 10>, scalar_prefetch = 0 : i64, scratch_operands = 0 : i64, tpu.core_type = #tpu.core_type<tc>, window_params = [{transform_indices = @transform_0, window_bounds = array<i64: 1000, 8, 128>}, {transform_indices = @transform_1, window_bounds = array<i64: 1000, 16, 96>}]} {
    %get3A = arith.constant 0 : index
    %get3A_0 = arith.constant 0 : index
    %get3A_1 = arith.constant 0 : index
    %get3A_2 = vector.load %arg1[%get3A, %get3A_0, %get3A_1] : memref<1000x8x128xi32, #tpu.memory_space<vmem>>, vector<1000x8x128xi32>
    %bitcast3A = tpu.bitcast %get3A_2 : vector<1000x8x128xi32> -> vector<1000x16x128xbf16>
    %slice3A = vector.extract_strided_slice %bitcast3A {offsets = [0, 0, 0], sizes = [1000, 16, 96], strides = [1, 1, 1]} : vector<1000x16x128xbf16> to vector<1000x16x96xbf16>
    %convert_element_type3A = arith.extf %slice3A : vector<1000x16x96xbf16> to vector<1000x16x96xf32>
    %swap3A = arith.constant 0 : index
    %swap3A_3 = arith.constant 0 : index
    %swap3A_4 = arith.constant 0 : index
    %swap3A_5 = vector.load %arg2[%swap3A, %swap3A_3, %swap3A_4] : memref<1000x16x96xf32, #tpu.memory_space<vmem>>, vector<1000x16x96xf32>
    tpu.vector_store %arg2[%swap3A, %swap3A_3, %swap3A_4], %convert_element_type3A {strides = array<i32>} : memref<1000x16x96xf32, #tpu.memory_space<vmem>>, vector<1000x16x96xf32>,
    return
  }
  func.func @transform_0(%arg0: i32) -> (i32, i32, i32) {
    %c0_i32 = arith.constant 0 : i32
    %c0_i32_0 = arith.constant 0 : i32
    %c0_i32_1 = arith.constant 0 : i32
    return %arg0, %c0_i32, %c0_i32_0 : i32, i32, i32
  }
  func.func @transform_1(%arg0: i32) -> (i32, i32, i32) {
    %c0_i32 = arith.constant 0 : i32
    %c0_i32_0 = arith.constant 0 : i32
    %c0_i32_1 = arith.constant 0 : i32
    return %arg0, %c0_i32, %c0_i32_0 : i32, i32, i32
  }
}

</mosaic_0001>

<sc_bundles>
// kernel: kernel.12.cloned.1.call-start
scs
__scs_entry_jumppad:
0x0: {  	(pc) =	sbr.rel $0x88, $3  }
0x1: {  	(tag) =	ssettag $0x0;
	lr =	simm.s32 $0x1  }
0x2: {  	[smem:$0x3F9B] =	sst lr;
	_ =	strace $0xD0000000  }
0x3: {  	_ = 	snop  }
0x4: {  	_ = 	snop  }
0x5: {  	_ = 	snop  }
0x6: {  	_ = 	snop  }
0x7: {  	_ = 	snop  }
__scs_overlays_trampoline_lowered:
0x8: {  	[smem:$0x3FAA] =	sst s0  }
0x9: {  	[smem:$0x3FAB] =	sst s1  }
0xa: {  	[smem:$0x3FAC] =	sst s2  }
0xb: {  	[smem:$0x3FAD] =	sst s3  }
0xc: {  	[smem:$0x3FAE] =	sst s4  }
0xd: {  	[smem:$0x3FAF] =	sst s5  }
0xe: {  	[smem:$0x3FB0] =	sst s6  }
0xf: {  	[smem:$0x3FB1] =	sst s7  }
0x10: {  	[smem:$0x3FB2] =	sst s8  }
0x11: {  	[smem:$0x3FB3] =	sst s9;
	s0 =	simm.s32 @!p0 $0x0  }
0x12: {  	s1 =	sld [smem:$0x3F99];
	s0 =	simm.s32 @p0 $0x1  }
0x13: {  	[smem:$0x3FB4] =	sst s0;
	s0 =	simm.s32 @!p1 $0x0  }
0x14: {  	s2 =	sld [smem:$0x3F98];
	s0 =	simm.s32 @p1 $0x1  }
0x15: {  	[smem:$0x3FB5] =	sst s0;
	s0 =	simm.s32 @!p2 $0x0  }
0x16: {  	s3 =	sld [smem:$0x3FDB];
	s0 =	simm.s32 @p2 $0x1  }
0x17: {  	s4 =	simm.s32 $0x1BF5;
	[smem:$0x3FB7] =	sst s0  }
0x18: {  	s0 =	sld [smem:$0x3F9A];
	_ =	swait.ge [sflag:s4], $0x0  }
0x19: {  	s7 =	sld [smem:$0x3F9B]  }
0x1a: {  	s8 =	sadd.s32 $0xFFFFE003, lr  }
0x1b: {  	s9 =	sadd.s32 $0xFFFFFEF7, lr;
	s5 =	simm.s32 $0xFFFFFFFF;
	p2 =	slt.u32 s8, $0xFFFFF086  }
0x1c: {  	p1 =	slt.u32 s9, $0xF7A;
	s5 =	simm.s32 @!p2 $0x0  }
0x1d: {  	s5 =	simm.s32 @p1 $0x1;
	p0 =	seq.s32 s7, s2  }
0x1e: {  	s7 =	smul.u32 @!p0 $0xF7A, s2;
	p2 =	seq.s32 @!p0 s5, $0x0  }
0x1f: {  	s9 =	smul.u32 $0xF7A, s1;
	s8 =	simm.s32 @!p0 $0x1BF5;
	p2 =	por !p2, p0  }
0x20: {  	[sflag:s8] =	ssyncset.s32 @!p0 $0xFFFFF086;
	s6 =	sadd.s32 @!p0 s3, s7;
	s7 =	simm.s32 @!p0 $0x108  }
0x21: {  	s3 =	sadd.s32 s3, s9;
	s6 =	sadd.s32 @!p0 $0x88, s6;
	s7 =	simm.s32 @p2 $0x1082  }
0x22: {  	[simem:s7], [sflag:s8] =	dma.local @!p0 [hbm:s6], $0xF7A  }
0x23: {  	s9 =	sor.u32 $0xD0000000, s2;
	s6 =	simm.s32 $0x108;
	_ =	swait.ge @!p0 [sflag:s8], $0x0  }
0x24: {  	s3 =	sadd.s32 $0x88, s3;
	s6 =	simm.s32 @!p1 $0x1082;
	[sflag:s4] =	ssyncset.s32 $0xFFFFF086  }
0x25: {  	[simem:s6], [sflag:s4] =	dma.local [hbm:s3], $0xF7A  }
0x26: {  	[smem:$0x3F9B] =	sst s1;
	(tag) =	ssettag s2;
	_ =	strace s9  }
0x27: {  	s1 =	sld [smem:$0x3FAB]  }
0x28: {  	s2 =	sld [smem:$0x3FAC]  }
0x29: {  	s4 =	sld [smem:$0x3FAE]  }
0x2a: {  	p0 =	seq.s32 s5, $0x0;
	s5 =	sld [smem:$0x3FAF]  }
0x2b: {  	s6 =	sld [smem:$0x3FB0]  }
0x2c: {  	s7 =	sld [smem:$0x3FB1]  }
0x2d: {  	s3 =	simm.s32 $0x108;
	s8 =	sld [smem:$0x3FB2]  }
0x2e: {  	s3 =	simm.s32 @!p0 $0x1082;
	s9 =	sld [smem:$0x3FB3]  }
0x2f: {  	lr =	sadd.s32 s0, s3;
	s0 =	sld [smem:$0x3FAA]  }
0x30: {  	s3 =	sld [smem:$0x3FAD]  }
0x31: {  	[smem:$0x3FB6] =	sst s10  }
0x32: {  	s10 =	sld [smem:$0x3FB4];
	_ =	sdelay $0x3  }
0x33: {  	p0 =	seq.s32 s10, $0x1;
	s10 =	sld [smem:$0x3FB6];
	_ =	sdelay $0x3  }
0x34: {  	[smem:$0x3FB6] =	sst s10  }
0x35: {  	s10 =	sld [smem:$0x3FB5];
	_ =	sdelay $0x3  }
0x36: {  	p1 =	seq.s32 s10, $0x1;
	s10 =	sld [smem:$0x3FB6];
	_ =	sdelay $0x3  }
0x37: {  	[smem:$0x3FB6] =	sst s10  }
0x38: {  	s10 =	sld [smem:$0x3FB7]  }
0x39: {  	_ = 	snop;
	(pc) =	sbr.ind lr, $3  }
0x3a: {  	_ = 	snop  }
0x3b: {  	_ = 	snop  }
0x3c: {  	p2 =	seq.s32 s10, $0x1;
	s10 =	sld [smem:$0x3FB6]  }
0x3d: {  	_ =	shalt  }
0x3e: {  	_ =	shalt  }
0x3f: {  	_ =	shalt  }
0x40: {  	_ =	shalt  }
0x41: {  	_ =	shalt  }
0x42: {  	_ =	shalt  }
0x43: {  	_ =	shalt  }
0x44: {  	_ =	shalt  }
0x45: {  	_ =	shalt  }
0x46: {  	_ =	shalt  }
0x47: {  	_ =	shalt  }
0x48: {  	_ =	shalt  }
0x49: {  	_ =	shalt  }
0x4a: {  	_ =	shalt  }
0x4b: {  	_ =	shalt  }
0x4c: {  	_ =	shalt  }
0x4d: {  	_ =	shalt  }
0x4e: {  	_ =	shalt  }
0x4f: {  	_ =	shalt  }
0x50: {  	_ =	shalt  }
0x51: {  	_ =	shalt  }
0x52: {  	_ =	shalt  }
0x53: {  	_ =	shalt  }
0x54: {  	_ =	shalt  }
0x55: {  	_ =	shalt  }
0x56: {  	_ =	shalt  }
0x57: {  	_ =	shalt  }
0x58: {  	_ =	shalt  }
0x59: {  	_ =	shalt  }
0x5a: {  	_ =	shalt  }
0x5b: {  	_ =	shalt  }
0x5c: {  	_ =	shalt  }
0x5d: {  	_ =	shalt  }
0x5e: {  	_ =	shalt  }
0x5f: {  	_ =	shalt  }
0x60: {  	_ =	shalt  }
0x61: {  	_ =	shalt  }
0x62: {  	_ =	shalt  }
0x63: {  	_ =	shalt  }
0x64: {  	_ =	shalt  }
0x65: {  	_ =	shalt  }
0x66: {  	_ =	shalt  }
0x67: {  	_ =	shalt  }
0x68: {  	_ =	shalt  }
0x69: {  	_ =	shalt  }
0x6a: {  	_ =	shalt  }
0x6b: {  	_ =	shalt  }
0x6c: {  	_ =	shalt  }
0x6d: {  	_ =	shalt  }
0x6e: {  	_ =	shalt  }
0x6f: {  	_ =	shalt  }
0x70: {  	_ =	shalt  }
0x71: {  	_ =	shalt  }
0x72: {  	_ =	shalt  }
0x73: {  	_ =	shalt  }
0x74: {  	_ =	shalt  }
0x75: {  	_ =	shalt  }
0x76: {  	_ =	shalt  }
0x77: {  	_ =	shalt  }
0x78: {  	_ =	shalt  }
0x79: {  	_ =	shalt  }
0x7a: {  	_ =	shalt  }
0x7b: {  	_ =	shalt  }
0x7c: {  	_ =	shalt  }
0x7d: {  	_ =	shalt  }
0x7e: {  	_ =	shalt  }
0x7f: {  	_ =	shalt  }
0x80: {  	_ =	shalt  }
0x81: {  	_ =	shalt  }
0x82: {  	_ =	shalt  }
0x83: {  	_ =	shalt  }
0x84: {  	_ =	shalt  }
0x85: {  	_ =	shalt  }
0x86: {  	_ =	shalt  }
0x87: {  	_ =	shalt  }
.Lfunc_end0:
.L_simem_size_0:
called_computation.1_lowered:
.L_overlay_start_0:
0x88: {  	s2 =	sld [smem:$0x3FD9]  }
0x89: {  	s3 =	sld [smem:$0x3FFE];
	_ =	sdelay $0x1  }
0x8a: {  	s1 =	srdreg.scid  }
0x8b: {  	s0 =	sand.u32 $0x1, s1  }
0x8c: {  	s17 =	sshll.u32 s0, $0xA;
	s2 =	sadd.s32 s3, s2  }
0x8d: {  	s2 =	sadd.s32 s2, s17  }
0x8e: {  	[smem:$0x3FC2] =	sst s2  }
0x8f: {  	_ = 	snop  }
0x90: {  	s2 =	sld [smem:$0x3FD0];
	(tm) =	ssettm $0x1  }
0x91: {  	s18 =	sld [smem:$0x3FFB];
	_ =	sdelay $0x3  }
0x92: {  	_ =	strace s18  }
0x93: {  	s3 =	sld [smem:$0x3FFC];
	_ =	sdelay $0x3  }
0x94: {  	_ =	strace s3  }
0x95: {  	s3 =	sld [smem:$0x3FFD];
	_ =	sdelay $0x3  }
0x96: {  	_ =	strace s3  }
0x97: {  	_ =	strace $0x8FFFFFFF  }
0x98: {  	s19 =	sld [smem:$0x3FDB];
	_ =	sdelay $0x1  }
0x99: {  	s4 =	simm.s32 $_scs_section_size  }
0x9a: {  	s5 =	simm.s32 $_size__tile_overlayer_lowered;
	s6 =	simm.s32 $_tile_overlayer_lowered  }
0x9b: {  	s22 =	simm.s32 $0x1BFF;
	s21 =	sshll.u32 s6, $0x1;
	s3 =	sadd.s32 s4, s19  }
0x9c: {  	s7 =	simm.s32 $0x0;
	s20 =	sshll.u32 s5, $0x1;
	s5 =	sadd.s32 s21, s3  }
0x9d: {  	[timem:s7], [sflag:s22] =	dma.local [hbm:s5], s20  }
0x9e: {  	_ =	swait.ge [sflag:s22], s20  }
0x9f: {  	s4 =	ssub.s32 $0x0, s20;
	[sflag:s22] =	ssyncset.done $0x0  }
0xa0: {  	[sflag:s22] =	ssyncadd.s32 s4;
	_ =	sdelay $0x1  }
0xa1: {  	s23 =	simm.s32 $0x1B8B  }
0xa2: {  	_ =	swait.ge [sflag:s23], $0x1  }
0xa3: {  	[sflag:s23] =	ssyncset.done $0x0  }
0xa4: {  	s25 =	simm.s32 $0x1B8E;
	s24 =	sld [smem:$0x3FFE];
	[sflag:s23] =	ssyncadd.s32 $0xFFFFFFFF  }
0xa5: {  	s26 =	simm.s32 $execute0_lowered;
	[smem:$0x3FD2] =	sst s25  }
0xa6: {  	s5 =	sshll.u32 s26, $0x1;
	_ =	strace $0x80000049;
	[dreg:$0x1] =	wrdreg $0xFFFFFFFF  }
0xa7: {  	s28 =	simm.s32 $_size_execute0_lowered;
	s3 =	sadd.s32 s3, s5;
	[dreg:$0x0] =	wrdreg $0x0  }
0xa8: {  	s5 =	sshll.u32 s28, $0x1;
	[dreg:$0x2] =	wrdreg s3  }
0xa9: {  	[dreg:$0x3] =	wrdreg s5  }
0xaa: {  	[dreg:$0x4] =	wrdreg $0xC0  }
0xab: {  	_ =	task [dreg:s7], $0x5FFFF  }
0xac: {  	[dreg:$0x1] =	wrdreg $0xFFFFFFFF  }
0xad: {  	[dreg:$0x0] =	wrdreg $0x60  }
0xae: {  	[dreg:$0x2] =	wrdreg s2  }
0xaf: {  	[dreg:$0x3] =	wrdreg s24  }
0xb0: {  	[dreg:$0x4] =	wrdreg $0x9  }
0xb1: {  	_ =	task.clear_ibuf [dreg:s7], $0x5FFFF;
	_ =	strace $0x90000049  }
0xb2: {  	s29 =	simm.s32 $0x9;
	_ =	strace $0x8000004B  }
0xb3: {  	_ =	swait.ge [sflag:s29], $0x1  }
0xb4: {  	[sflag:s29] =	ssyncadd.s32 $0xFFFFFFFF  }
0xb5: {  	_ =	strace $0x9000004B  }
0xb6: {  	_ =	sfence  }
0xb7: {  	s30 =	sld [smem:$0x0];
	_ =	sdelay $0x2  }
0xb8: {  	s31 =	sshll.u32 s1, $0xD;
	s1 =	sshrl.u32 s1, $0x2  }
0xb9: {  	s3 =	sand.u32 $0x4000, s31;
	s1 =	sadd.s32 s1, s30  }
0xba: {  	s0 =	sor.u32 s3, s0;
	s1 =	sshll.u32 s1, $0x11  }
0xbb: {  	s0 =	sor.u32 s1, s0  }
0xbc: {  	s0 =	sadd.s32 $0x8F2B, s0  }
0xbd: {  	[sflag:s0] =	ssyncadd.remote.s32 $0x1  }
0xbe: {  	_ =	sfence.sel $0xFFFF  }
0xbf: {  	[dreg:$0x0] =	wrdreg $0xFFFFFFFF;
	(pc) =	sbr.abs _section_cstart, $3  }
0xc0: {  	[dreg:$0x1] =	wrdreg $0xFFFFFFFF  }
0xc1: {  	_ =	task.clear_ibuf [dreg:s7], $0x2FFFF;
	_ =	strace $0x9FFFFFFF  }
0xc2: {  	(tm) =	ssettm $0x7FFFFFFF  }
0xc3: {  	_ =	shalt  }
tec
execute0_lowered:
.L_overlay_start_1:
0x0: {  	(tag) =	ssettag $0x1  }
0x1: {  	s0 =	srdreg.scid;
	s13 =	stileid.u32  }
0x2: {  	s17 =	sand.u32 $0x1, s0;
	s30 =	sshll.u32 s13, $0x1  }
0x3: {  	s8 =	sor.u32 s17, s30  }
0x4: {  	s1 =	rddreg [dreg:$0x0];
	s11 =	smul.u32 $0x138, s8  }
0x5: {  	s9 =	rddreg [dreg:$0x1];
	s2 =	simm.s32 $0x0;
	s4 =	simm.s32 $0x2  }
0x6: {  	[smem:$0x7FF] =	sst s2;
	s14 =	sadd.s32 $0x1600, s9;
	s3 =	sshrl.u32 s11, $0x3  }
0x7: {  	s0 =	rddreg [dreg:$0x2];
	_ =	strace $0x8000004A;
	s3 =	sadd.s32 s14, s3  }
0x8: {  	[tilespmem:s2], [sflag:$0x2] =	stream.linear.gather [hbm4b:s3+s2], $0x68, $0x38;
	[tilespmem:$0x1C100] =	vst v63  }
0x9: {  	_ =	swait.ge [sflag:s4], $0x68  }
0xa: {  	s5 =	simm.s32 $0x68;
	[sflag:s4] =	ssyncset.done $0x0  }
0xb: {  	s6 =	simm.s32 $0x80;
	s7 =	simm.s32 $0x1;
	[sflag:s4] =	ssyncadd.s32 $0xFFFFFF98  }
0xc: {  	[tilespmem:s6], [sflag:$0x1] =	stream.indirect.gather [hbm4b:s1+s5], $0x400, s2, s5, $0xb8;
	[tilespmem:$0x1C100] =	vst v63  }
0xd: {  	s8 =	smul.u32 $0x9C00, s8;
	_ =	swait.ge [sflag:s7], $0x1A000  }
0xe: {  	s20 =	sadd.s32 $0x1C00, s9;
	[sflag:s7] =	ssyncset.done $0x0  }
0xf: {  	s8 =	sadd.s32 s20, s8;
	[sflag:s7] =	ssyncadd.s32 $0xFFFE6000  }
0x10: {  	[hbm4b:s8+s2] =	stream.linear.scatter [tilespmem:s6], [sflag:$0x2], $0x1A000, $0x38;
	[tilespmem:$0x1C100] =	vst v63  }
0x11: {  	s10 =	sadd.s32 $0x68, s11;
	_ =	swait.ge [sflag:s4], $0x1A000  }
0x12: {  	s31 =	sshrl.u32 s10, $0x3;
	[sflag:s4] =	ssyncset.done $0x0  }
0x13: {  	s9 =	sadd.s32 s14, s31;
	[sflag:s4] =	ssyncadd.s32 $0xFFFE6000  }
0x14: {  	[tilespmem:s2], [sflag:$0x2] =	stream.linear.gather [hbm4b:s9+s2], $0x68, $0x38;
	[tilespmem:$0x1C100] =	vst v63  }
0x15: {  	_ =	swait.ge [sflag:s4], $0x68  }
0x16: {  	[sflag:s4] =	ssyncset.done $0x0  }
0x17: {  	[sflag:s4] =	ssyncadd.s32 $0xFFFFFF98  }
0x18: {  	[tilespmem:s6], [sflag:$0x1] =	stream.indirect.gather [hbm4b:s1+s5], $0x400, s2, s5, $0xb8;
	[tilespmem:$0x1C100] =	vst v63  }
0x19: {  	_ =	swait.ge [sflag:s7], $0x1A000  }
0x1a: {  	s10 =	sshll.u32 s10, $0x7;
	[sflag:s7] =	ssyncset.done $0x0  }
0x1b: {  	s10 =	sadd.s32 s20, s10;
	[sflag:s7] =	ssyncadd.s32 $0xFFFE6000  }
0x1c: {  	[hbm4b:s10+s2] =	stream.linear.scatter [tilespmem:s6], [sflag:$0x2], $0x1A000, $0x38;
	[tilespmem:$0x1C100] =	vst v63  }
0x1d: {  	s12 =	sadd.s32 $0xD0, s11;
	_ =	swait.ge [sflag:s4], $0x1A000  }
0x1e: {  	s11 =	sshrl.u32 s12, $0x3;
	[sflag:s4] =	ssyncset.done $0x0  }
0x1f: {  	s11 =	sadd.s32 s14, s11;
	[sflag:s4] =	ssyncadd.s32 $0xFFFE6000  }
0x20: {  	[tilespmem:s2], [sflag:$0x2] =	stream.linear.gather [hbm4b:s11+s2], $0x68, $0x38;
	[tilespmem:$0x1C100] =	vst v63  }
0x21: {  	_ =	swait.ge [sflag:s4], $0x68  }
0x22: {  	[sflag:s4] =	ssyncset.done $0x0  }
0x23: {  	p0 =	sne.s32 s13, $0x0;
	s15 =	sshll.u32 s17, $0x3;
	[sflag:s4] =	ssyncadd.s32 $0xFFFFFF98  }
0x24: {  	[tilespmem:s6], [sflag:$0x1] =	stream.indirect.gather [hbm4b:s1+s5], $0x400, s2, s5, $0xb8;
	[tilespmem:$0x1C100] =	vst v63  }
0x25: {  	s13 =	simm.s32 @!p0 $0x2;
	s16 =	simm.s32 @!p0 $0x1A080;
	_ =	swait.ge [sflag:s7], $0x1A000  }
0x26: {  	s22 =	ssub.s32 $0x2, s17;
	s12 =	sshll.u32 s12, $0x7;
	[sflag:s7] =	ssyncset.done $0x0  }
0x27: {  	s17 =	simm.s32 @!p0 $0x1;
	s12 =	sadd.s32 s20, s12;
	[sflag:s7] =	ssyncadd.s32 $0xFFFE6000  }
0x28: {  	[hbm4b:s12+s2] =	stream.linear.scatter [tilespmem:s6], [sflag:$0x2], $0x1A000, $0x38;
	[tilespmem:$0x1C100] =	vst v63  }
0x29: {  	s18 =	simm.s32 @!p0 $0x8;
	s21 =	sor.u32 $0x2700, s15;
	_ =	swait.ge [sflag:s4], $0x1A000  }
0x2a: {  	s23 =	sshrl.u32 s22, $0x1;
	s15 =	sshrl.u32 s21, $0x3;
	[sflag:s4] =	ssyncset.done $0x0  }
0x2b: {  	s14 =	sadd.s32 s14, s15;
	s15 =	simm.s32 @!p0 $0x0;
	[sflag:s4] =	ssyncadd.s32 $0xFFFE6000  }
0x2c: {  	[tilespmem:s16], [sflag:$0x2] =	stream.linear.gather @!p0 [hbm4b:s14+s15], $0x8, $0x38;
	[tilespmem:$0x1C100] =	vst v63  }
0x2d: {  	s19 =	simm.s32 @!p0 $0x1A100;
	s22 =	ssub.s32 s22, s23;
	_ =	swait.ge @!p0 [sflag:s13], $0x8  }
0x2e: {  	s21 =	sshll.u32 s21, $0x7;
	s22 =	smax.u32 s22, $0x1;
	[sflag:s13] =	ssyncset.done @!p0 $0x0  }
0x2f: {  	s20 =	sadd.s32 s20, s21;
	s21 =	sadd.s32 $0xFFFFFFFF, s22;
	[sflag:s13] =	ssyncadd.s32 @!p0 $0xFFFFFFF8  }
0x30: {  	[tilespmem:s19], [sflag:$0x1] =	stream.indirect.gather @!p0 [hbm4b:s1+s18], $0x400, s16, s18, $0xb8;
	[tilespmem:$0x1C100] =	vst v63  }
0x31: {  	p1 =	sne.s32 s21, $0x0;
	_ =	swait.ge @!p0 [sflag:s17], $0x2000  }
.Ltmp0:
0x32: {  	[sflag:s17] =	ssyncset.done @!p0 $0x0;
	(pc) =	sbr.rel @!p1 .LBB2_2-.Ltmp0, $4  }
0x33: {  	[sflag:s17] =	ssyncadd.s32 @!p0 $0xFFFFE000  }
0x34: {  	[hbm4b:s20+s15] =	stream.linear.scatter @!p0 [tilespmem:s19], [sflag:$0x2], $0x2000, $0x38;
	[tilespmem:$0x1C100] =	vst v63  }
0x35: {  	_ =	swait.ge @!p0 [sflag:s13], $0x2000  }
0x36: {  	[sflag:s13] =	ssyncset.done @!p0 $0x0  }
.LBB2_1:
0x37: {  	s21 =	sadd.s32 $0xFFFFFFFF, s21;
	[sflag:s13] =	ssyncadd.s32 @!p0 $0xFFFFE000  }
0x38: {  	[tilespmem:s2], [sflag:$0x2] =	stream.linear.gather [hbm4b:s3+s2], $0x68, $0x38;
	[tilespmem:$0x1C100] =	vst v63  }
0x39: {  	p1 =	sne.s32 s21, $0x0;
	_ =	swait.ge [sflag:s4], $0x68  }
0x3a: {  	[sflag:s4] =	ssyncset.done $0x0  }
0x3b: {  	[sflag:s4] =	ssyncadd.s32 $0xFFFFFF98  }
0x3c: {  	[tilespmem:s6], [sflag:$0x1] =	stream.indirect.gather [hbm4b:s1+s5], $0x400, s2, s5, $0xb8;
	[tilespmem:$0x1C100] =	vst v63  }
0x3d: {  	_ =	swait.ge [sflag:s7], $0x1A000  }
0x3e: {  	[sflag:s7] =	ssyncset.done $0x0  }
0x3f: {  	[sflag:s7] =	ssyncadd.s32 $0xFFFE6000  }
0x40: {  	[hbm4b:s8+s2] =	stream.linear.scatter [tilespmem:s6], [sflag:$0x2], $0x1A000, $0x38;
	[tilespmem:$0x1C100] =	vst v63  }
0x41: {  	_ =	swait.ge [sflag:s4], $0x1A000  }
0x42: {  	[sflag:s4] =	ssyncset.done $0x0  }
0x43: {  	[sflag:s4] =	ssyncadd.s32 $0xFFFE6000  }
0x44: {  	[tilespmem:s2], [sflag:$0x2] =	stream.linear.gather [hbm4b:s9+s2], $0x68, $0x38;
	[tilespmem:$0x1C100] =	vst v63  }
0x45: {  	_ =	swait.ge [sflag:s4], $0x68  }
0x46: {  	[sflag:s4] =	ssyncset.done $0x0  }
0x47: {  	[sflag:s4] =	ssyncadd.s32 $0xFFFFFF98  }
0x48: {  	[tilespmem:s6], [sflag:$0x1] =	stream.indirect.gather [hbm4b:s1+s5], $0x400, s2, s5, $0xb8;
	[tilespmem:$0x1C100] =	vst v63  }
0x49: {  	_ =	swait.ge [sflag:s7], $0x1A000  }
0x4a: {  	[sflag:s7] =	ssyncset.done $0x0  }
0x4b: {  	[sflag:s7] =	ssyncadd.s32 $0xFFFE6000  }
0x4c: {  	[hbm4b:s10+s2] =	stream.linear.scatter [tilespmem:s6], [sflag:$0x2], $0x1A000, $0x38;
	[tilespmem:$0x1C100] =	vst v63  }
0x4d: {  	_ =	swait.ge [sflag:s4], $0x1A000  }
0x4e: {  	[sflag:s4] =	ssyncset.done $0x0  }
0x4f: {  	[sflag:s4] =	ssyncadd.s32 $0xFFFE6000  }
0x50: {  	[tilespmem:s2], [sflag:$0x2] =	stream.linear.gather [hbm4b:s11+s2], $0x68, $0x38;
	[tilespmem:$0x1C100] =	vst v63  }
0x51: {  	_ =	swait.ge [sflag:s4], $0x68  }
0x52: {  	[sflag:s4] =	ssyncset.done $0x0  }
0x53: {  	[sflag:s4] =	ssyncadd.s32 $0xFFFFFF98  }
0x54: {  	[tilespmem:s6], [sflag:$0x1] =	stream.indirect.gather [hbm4b:s1+s5], $0x400, s2, s5, $0xb8;
	[tilespmem:$0x1C100] =	vst v63  }
0x55: {  	_ =	swait.ge [sflag:s7], $0x1A000  }
0x56: {  	[sflag:s7] =	ssyncset.done $0x0  }
0x57: {  	[sflag:s7] =	ssyncadd.s32 $0xFFFE6000  }
0x58: {  	[hbm4b:s12+s2] =	stream.linear.scatter [tilespmem:s6], [sflag:$0x2], $0x1A000, $0x38;
	[tilespmem:$0x1C100] =	vst v63  }
0x59: {  	_ =	swait.ge [sflag:s4], $0x1A000  }
0x5a: {  	[sflag:s4] =	ssyncset.done $0x0  }
0x5b: {  	[sflag:s4] =	ssyncadd.s32 $0xFFFE6000  }
0x5c: {  	[tilespmem:s16], [sflag:$0x2] =	stream.linear.gather @!p0 [hbm4b:s14+s15], $0x8, $0x38;
	[tilespmem:$0x1C100] =	vst v63  }
0x5d: {  	_ =	swait.ge @!p0 [sflag:s13], $0x8  }
0x5e: {  	[sflag:s13] =	ssyncset.done @!p0 $0x0  }
0x5f: {  	[sflag:s13] =	ssyncadd.s32 @!p0 $0xFFFFFFF8  }
0x60: {  	[tilespmem:s19], [sflag:$0x1] =	stream.indirect.gather @!p0 [hbm4b:s1+s18], $0x400, s16, s18, $0xb8;
	[tilespmem:$0x1C100] =	vst v63  }
0x61: {  	_ =	swait.ge @!p0 [sflag:s17], $0x2000  }
.Ltmp1:
0x62: {  	[sflag:s17] =	ssyncset.done @!p0 $0x0;
	(pc) =	sbr.rel @p1 .LBB2_1-.Ltmp1, $4  }
0x63: {  	[sflag:s17] =	ssyncadd.s32 @!p0 $0xFFFFE000  }
0x64: {  	[hbm4b:s20+s15] =	stream.linear.scatter @!p0 [tilespmem:s19], [sflag:$0x2], $0x2000, $0x38;
	[tilespmem:$0x1C100] =	vst v63  }
0x65: {  	_ =	swait.ge @!p0 [sflag:s13], $0x2000  }
0x66: {  	[sflag:s13] =	ssyncset.done @!p0 $0x0  }
.LBB2_2:
0x67: {  	[sflag:s13] =	ssyncadd.s32 @!p0 $0xFFFFE000  }
0x68: {  	_ =	sfence.sel $0x180000  }
0x69: {  	[bflag:$0x0] =	sbarrier.arrive $0xFFFF  }
0x6a: {  	_ =	strace $0x9000004A  }
0x6b: {  	s0 =	sadd.s32 @!p0 $0x100000, s0;
	[bflag:$0x2] =	sbarrier.arrive $0xFFFF  }
0x6c: {  	[sflag:s0] =	ssyncadd.tile.s32 @!p0 $0x1;
	_ =	shalt  }
.Lfunc_end2:
_tile_overlayer_lowered:
.L_overlay_start_2:
0x6d: {  	(tag) =	ssettag $0x2  }
0x6e: {  	s0 =	rddreg [dreg:$0x0];
	s2 =	stileid.u32  }
0x6f: {  	s1 =	rddreg [dreg:$0x1];
	p0 =	sne.s32 s2, $0x0  }
0x70: {  	s3 =	rddreg [dreg:$0x2];
	[bflag:$0x3] =	sbarrier.arrive $0xFFFF;
	s2 =	simm.s32 @!p0 $0x1C02  }
0x71: {  	[timem:s3], [sflag:s2] =	dma.local @!p0 [hbm:s0], s1  }
0x72: {  	s0 =	simm.s32 @!p0 $0x2  }
0x73: {  	_ =	swait.ge @!p0 [sflag:s0], s1  }
0x74: {  	s1 =	ssub.s32 @!p0 $0x0, s1;
	[sflag:s0] =	ssyncset.done @!p0 $0x0  }
0x75: {  	[sflag:s0] =	ssyncadd.s32 @!p0 s1  }
0x76: {  	[bflag:$0x3] =	sbarrier.arrive $0xFFFF  }
0x77: {  	_ =	shalt  }

// kernel: kernel.9.cloned.1.call-start
scs
__scs_entry_jumppad:
0x0: {  	(pc) =	sbr.rel $0x88, $3  }
0x1: {  	(tag) =	ssettag $0x0;
	lr =	simm.s32 $0x1  }
0x2: {  	[smem:$0x3F9B] =	sst lr;
	_ =	strace $0xD0000000  }
0x3: {  	_ = 	snop  }
0x4: {  	_ = 	snop  }
0x5: {  	_ = 	snop  }
0x6: {  	_ = 	snop  }
0x7: {  	_ = 	snop  }
__scs_overlays_trampoline_lowered:
0x8: {  	[smem:$0x3FAA] =	sst s0  }
0x9: {  	[smem:$0x3FAB] =	sst s1  }
0xa: {  	[smem:$0x3FAC] =	sst s2  }
0xb: {  	[smem:$0x3FAD] =	sst s3  }
0xc: {  	[smem:$0x3FAE] =	sst s4  }
0xd: {  	[smem:$0x3FAF] =	sst s5  }
0xe: {  	[smem:$0x3FB0] =	sst s6  }
0xf: {  	[smem:$0x3FB1] =	sst s7  }
0x10: {  	[smem:$0x3FB2] =	sst s8  }
0x11: {  	[smem:$0x3FB3] =	sst s9;
	s0 =	simm.s32 @!p0 $0x0  }
0x12: {  	s1 =	sld [smem:$0x3F99];
	s0 =	simm.s32 @p0 $0x1  }
0x13: {  	[smem:$0x3FB4] =	sst s0;
	s0 =	simm.s32 @!p1 $0x0  }
0x14: {  	s2 =	sld [smem:$0x3F98];
	s0 =	simm.s32 @p1 $0x1  }
0x15: {  	[smem:$0x3FB5] =	sst s0;
	s0 =	simm.s32 @!p2 $0x0  }
0x16: {  	s3 =	sld [smem:$0x3FDB];
	s0 =	simm.s32 @p2 $0x1  }
0x17: {  	s4 =	simm.s32 $0x1BF5;
	[smem:$0x3FB7] =	sst s0  }
0x18: {  	s0 =	sld [smem:$0x3F9A];
	_ =	swait.ge [sflag:s4], $0x0  }
0x19: {  	s7 =	sld [smem:$0x3F9B]  }
0x1a: {  	s8 =	sadd.s32 $0xFFFFE003, lr  }
0x1b: {  	s9 =	sadd.s32 $0xFFFFFEF7, lr;
	s5 =	simm.s32 $0xFFFFFFFF;
	p2 =	slt.u32 s8, $0xFFFFF086  }
0x1c: {  	p1 =	slt.u32 s9, $0xF7A;
	s5 =	simm.s32 @!p2 $0x0  }
0x1d: {  	s5 =	simm.s32 @p1 $0x1;
	p0 =	seq.s32 s7, s2  }
0x1e: {  	s7 =	smul.u32 @!p0 $0xF7A, s2;
	p2 =	seq.s32 @!p0 s5, $0x0  }
0x1f: {  	s9 =	smul.u32 $0xF7A, s1;
	s8 =	simm.s32 @!p0 $0x1BF5;
	p2 =	por !p2, p0  }
0x20: {  	[sflag:s8] =	ssyncset.s32 @!p0 $0xFFFFF086;
	s6 =	sadd.s32 @!p0 s3, s7;
	s7 =	simm.s32 @!p0 $0x108  }
0x21: {  	s3 =	sadd.s32 s3, s9;
	s6 =	sadd.s32 @!p0 $0x88, s6;
	s7 =	simm.s32 @p2 $0x1082  }
0x22: {  	[simem:s7], [sflag:s8] =	dma.local @!p0 [hbm:s6], $0xF7A  }
0x23: {  	s9 =	sor.u32 $0xD0000000, s2;
	s6 =	simm.s32 $0x108;
	_ =	swait.ge @!p0 [sflag:s8], $0x0  }
0x24: {  	s3 =	sadd.s32 $0x88, s3;
	s6 =	simm.s32 @!p1 $0x1082;
	[sflag:s4] =	ssyncset.s32 $0xFFFFF086  }
0x25: {  	[simem:s6], [sflag:s4] =	dma.local [hbm:s3], $0xF7A  }
0x26: {  	[smem:$0x3F9B] =	sst s1;
	(tag) =	ssettag s2;
	_ =	strace s9  }
0x27: {  	s1 =	sld [smem:$0x3FAB]  }
0x28: {  	s2 =	sld [smem:$0x3FAC]  }
0x29: {  	s4 =	sld [smem:$0x3FAE]  }
0x2a: {  	p0 =	seq.s32 s5, $0x0;
	s5 =	sld [smem:$0x3FAF]  }
0x2b: {  	s6 =	sld [smem:$0x3FB0]  }
0x2c: {  	s7 =	sld [smem:$0x3FB1]  }
0x2d: {  	s3 =	simm.s32 $0x108;
	s8 =	sld [smem:$0x3FB2]  }
0x2e: {  	s3 =	simm.s32 @!p0 $0x1082;
	s9 =	sld [smem:$0x3FB3]  }
0x2f: {  	lr =	sadd.s32 s0, s3;
	s0 =	sld [smem:$0x3FAA]  }
0x30: {  	s3 =	sld [smem:$0x3FAD]  }
0x31: {  	[smem:$0x3FB6] =	sst s10  }
0x32: {  	s10 =	sld [smem:$0x3FB4];
	_ =	sdelay $0x3  }
0x33: {  	p0 =	seq.s32 s10, $0x1;
	s10 =	sld [smem:$0x3FB6];
	_ =	sdelay $0x3  }
0x34: {  	[smem:$0x3FB6] =	sst s10  }
0x35: {  	s10 =	sld [smem:$0x3FB5];
	_ =	sdelay $0x3  }
0x36: {  	p1 =	seq.s32 s10, $0x1;
	s10 =	sld [smem:$0x3FB6];
	_ =	sdelay $0x3  }
0x37: {  	[smem:$0x3FB6] =	sst s10  }
0x38: {  	s10 =	sld [smem:$0x3FB7]  }
0x39: {  	_ = 	snop;
	(pc) =	sbr.ind lr, $3  }
0x3a: {  	_ = 	snop  }
0x3b: {  	_ = 	snop  }
0x3c: {  	p2 =	seq.s32 s10, $0x1;
	s10 =	sld [smem:$0x3FB6]  }
0x3d: {  	_ =	shalt  }
0x3e: {  	_ =	shalt  }
0x3f: {  	_ =	shalt  }
0x40: {  	_ =	shalt  }
0x41: {  	_ =	shalt  }
0x42: {  	_ =	shalt  }
0x43: {  	_ =	shalt  }
0x44: {  	_ =	shalt  }
0x45: {  	_ =	shalt  }
0x46: {  	_ =	shalt  }
0x47: {  	_ =	shalt  }
0x48: {  	_ =	shalt  }
0x49: {  	_ =	shalt  }
0x4a: {  	_ =	shalt  }
0x4b: {  	_ =	shalt  }
0x4c: {  	_ =	shalt  }
0x4d: {  	_ =	shalt  }
0x4e: {  	_ =	shalt  }
0x4f: {  	_ =	shalt  }
0x50: {  	_ =	shalt  }
0x51: {  	_ =	shalt  }
0x52: {  	_ =	shalt  }
0x53: {  	_ =	shalt  }
0x54: {  	_ =	shalt  }
0x55: {  	_ =	shalt  }
0x56: {  	_ =	shalt  }
0x57: {  	_ =	shalt  }
0x58: {  	_ =	shalt  }
0x59: {  	_ =	shalt  }
0x5a: {  	_ =	shalt  }
0x5b: {  	_ =	shalt  }
0x5c: {  	_ =	shalt  }
0x5d: {  	_ =	shalt  }
0x5e: {  	_ =	shalt  }
0x5f: {  	_ =	shalt  }
0x60: {  	_ =	shalt  }
0x61: {  	_ =	shalt  }
0x62: {  	_ =	shalt  }
0x63: {  	_ =	shalt  }
0x64: {  	_ =	shalt  }
0x65: {  	_ =	shalt  }
0x66: {  	_ =	shalt  }
0x67: {  	_ =	shalt  }
0x68: {  	_ =	shalt  }
0x69: {  	_ =	shalt  }
0x6a: {  	_ =	shalt  }
0x6b: {  	_ =	shalt  }
0x6c: {  	_ =	shalt  }
0x6d: {  	_ =	shalt  }
0x6e: {  	_ =	shalt  }
0x6f: {  	_ =	shalt  }
0x70: {  	_ =	shalt  }
0x71: {  	_ =	shalt  }
0x72: {  	_ =	shalt  }
0x73: {  	_ =	shalt  }
0x74: {  	_ =	shalt  }
0x75: {  	_ =	shalt  }
0x76: {  	_ =	shalt  }
0x77: {  	_ =	shalt  }
0x78: {  	_ =	shalt  }
0x79: {  	_ =	shalt  }
0x7a: {  	_ =	shalt  }
0x7b: {  	_ =	shalt  }
0x7c: {  	_ =	shalt  }
0x7d: {  	_ =	shalt  }
0x7e: {  	_ =	shalt  }
0x7f: {  	_ =	shalt  }
0x80: {  	_ =	shalt  }
0x81: {  	_ =	shalt  }
0x82: {  	_ =	shalt  }
0x83: {  	_ =	shalt  }
0x84: {  	_ =	shalt  }
0x85: {  	_ =	shalt  }
0x86: {  	_ =	shalt  }
0x87: {  	_ =	shalt  }
.Lfunc_end0:
.L_simem_size_0:
called_computation_lowered:
.L_overlay_start_0:
0x88: {  	s2 =	sld [smem:$0x3FD9]  }
0x89: {  	s3 =	sld [smem:$0x3FFE];
	_ =	sdelay $0x1  }
0x8a: {  	s1 =	srdreg.scid  }
0x8b: {  	s0 =	sand.u32 $0x1, s1  }
0x8c: {  	s17 =	sshll.u32 s0, $0xA;
	s2 =	sadd.s32 s3, s2  }
0x8d: {  	s2 =	sadd.s32 s2, s17  }
0x8e: {  	[smem:$0x3FC2] =	sst s2  }
0x8f: {  	_ = 	snop  }
0x90: {  	s2 =	sld [smem:$0x3FD0];
	(tm) =	ssettm $0x1  }
0x91: {  	s18 =	sld [smem:$0x3FFB];
	_ =	sdelay $0x3  }
0x92: {  	_ =	strace s18  }
0x93: {  	s3 =	sld [smem:$0x3FFC];
	_ =	sdelay $0x3  }
0x94: {  	_ =	strace s3  }
0x95: {  	s3 =	sld [smem:$0x3FFD];
	_ =	sdelay $0x3  }
0x96: {  	_ =	strace s3  }
0x97: {  	_ =	strace $0x8FFFFFFF  }
0x98: {  	s19 =	sld [smem:$0x3FDB];
	_ =	sdelay $0x1  }
0x99: {  	s4 =	simm.s32 $_scs_section_size  }
0x9a: {  	s5 =	simm.s32 $_size__tile_overlayer_lowered;
	s6 =	simm.s32 $_tile_overlayer_lowered  }
0x9b: {  	s22 =	simm.s32 $0x1BFF;
	s21 =	sshll.u32 s6, $0x1;
	s3 =	sadd.s32 s4, s19  }
0x9c: {  	s7 =	simm.s32 $0x0;
	s20 =	sshll.u32 s5, $0x1;
	s5 =	sadd.s32 s21, s3  }
0x9d: {  	[timem:s7], [sflag:s22] =	dma.local [hbm:s5], s20  }
0x9e: {  	_ =	swait.ge [sflag:s22], s20  }
0x9f: {  	s4 =	ssub.s32 $0x0, s20;
	[sflag:s22] =	ssyncset.done $0x0  }
0xa0: {  	[sflag:s22] =	ssyncadd.s32 s4;
	_ =	sdelay $0x1  }
0xa1: {  	s23 =	simm.s32 $0x1B8B  }
0xa2: {  	_ =	swait.ge [sflag:s23], $0x1  }
0xa3: {  	[sflag:s23] =	ssyncset.done $0x0  }
0xa4: {  	s25 =	simm.s32 $0x1B8E;
	s24 =	sld [smem:$0x3FFE];
	[sflag:s23] =	ssyncadd.s32 $0xFFFFFFFF  }
0xa5: {  	s26 =	simm.s32 $execute0_lowered;
	[smem:$0x3FD2] =	sst s25  }
0xa6: {  	s5 =	sshll.u32 s26, $0x1;
	_ =	strace $0x80000046;
	[dreg:$0x1] =	wrdreg $0xFFFFFFFF  }
0xa7: {  	s28 =	simm.s32 $_size_execute0_lowered;
	s3 =	sadd.s32 s3, s5;
	[dreg:$0x0] =	wrdreg $0x0  }
0xa8: {  	s5 =	sshll.u32 s28, $0x1;
	[dreg:$0x2] =	wrdreg s3  }
0xa9: {  	[dreg:$0x3] =	wrdreg s5  }
0xaa: {  	[dreg:$0x4] =	wrdreg $0xC0  }
0xab: {  	_ =	task [dreg:s7], $0x5FFFF  }
0xac: {  	[dreg:$0x1] =	wrdreg $0xFFFFFFFF  }
0xad: {  	[dreg:$0x0] =	wrdreg $0x60  }
0xae: {  	[dreg:$0x2] =	wrdreg s2  }
0xaf: {  	[dreg:$0x3] =	wrdreg s24  }
0xb0: {  	[dreg:$0x4] =	wrdreg $0x9  }
0xb1: {  	_ =	task.clear_ibuf [dreg:s7], $0x5FFFF;
	_ =	strace $0x90000046  }
0xb2: {  	s29 =	simm.s32 $0x9;
	_ =	strace $0x80000048  }
0xb3: {  	_ =	swait.ge [sflag:s29], $0x1  }
0xb4: {  	[sflag:s29] =	ssyncadd.s32 $0xFFFFFFFF  }
0xb5: {  	_ =	strace $0x90000048  }
0xb6: {  	_ =	sfence  }
0xb7: {  	s30 =	sld [smem:$0x0];
	_ =	sdelay $0x2  }
0xb8: {  	s31 =	sshll.u32 s1, $0xD;
	s1 =	sshrl.u32 s1, $0x2  }
0xb9: {  	s3 =	sand.u32 $0x4000, s31;
	s1 =	sadd.s32 s1, s30  }
0xba: {  	s0 =	sor.u32 s3, s0;
	s1 =	sshll.u32 s1, $0x11  }
0xbb: {  	s0 =	sor.u32 s1, s0  }
0xbc: {  	s0 =	sadd.s32 $0x8F2B, s0  }
0xbd: {  	[sflag:s0] =	ssyncadd.remote.s32 $0x1  }
0xbe: {  	_ =	sfence.sel $0xFFFF  }
0xbf: {  	[dreg:$0x0] =	wrdreg $0xFFFFFFFF;
	(pc) =	sbr.abs _section_cstart, $3  }
0xc0: {  	[dreg:$0x1] =	wrdreg $0xFFFFFFFF  }
0xc1: {  	_ =	task.clear_ibuf [dreg:s7], $0x2FFFF;
	_ =	strace $0x9FFFFFFF  }
0xc2: {  	(tm) =	ssettm $0x7FFFFFFF  }
0xc3: {  	_ =	shalt  }
tec
execute0_lowered:
.L_overlay_start_1:
0x0: {  	(tag) =	ssettag $0x1  }
0x1: {  	s0 =	srdreg.scid;
	s13 =	stileid.u32  }
0x2: {  	s14 =	sand.u32 $0x1, s0;
	s28 =	sshll.u32 s13, $0x1  }
0x3: {  	s4 =	sor.u32 s14, s28  }
0x4: {  	s17 =	rddreg [dreg:$0x0];
	s11 =	smul.u32 $0x138, s4  }
0x5: {  	s6 =	rddreg [dreg:$0x1];
	s1 =	simm.s32 $0x0;
	s3 =	simm.s32 $0x2  }
0x6: {  	[smem:$0x7FF] =	sst s1;
	s15 =	sadd.s32 $0x1600, s6;
	s2 =	sshrl.u32 s11, $0x3  }
0x7: {  	s0 =	rddreg [dreg:$0x2];
	_ =	strace $0x80000047;
	s2 =	sadd.s32 s15, s2  }
0x8: {  	[tilespmem:s1], [sflag:$0x2] =	stream.linear.gather [hbm4b:s2+s1], $0x68, $0x38;
	[tilespmem:$0x1C100] =	vst v63  }
0x9: {  	s4 =	smul.u32 $0x9C00, s4;
	_ =	swait.ge [sflag:s3], $0x68  }
0xa: {  	[sflag:s3] =	ssyncset.done $0x0  }
0xb: {  	s5 =	simm.s32 $0x80;
	s4 =	sadd.s32 s17, s4;
	[sflag:s3] =	ssyncadd.s32 $0xFFFFFF98  }
0xc: {  	[tilespmem:s5], [sflag:$0x2] =	stream.linear.gather [hbm4b:s4+s1], $0x1A000, $0x38;
	[tilespmem:$0x1C100] =	vst v63  }
0xd: {  	_ =	swait.ge [sflag:s3], $0x1A000  }
0xe: {  	s7 =	simm.s32 $0x68;
	[sflag:s3] =	ssyncset.done $0x0  }
0xf: {  	s8 =	simm.s32 $0x1;
	s6 =	sadd.s32 $0x1C00, s6;
	[sflag:s3] =	ssyncadd.s32 $0xFFFE6000  }
0x10: {  	[hbm4b:s6+s7] =	stream.indirect.scatter [tilespmem:s5], [sflag:$0x1], $0x400, s1, s7, $0xb8;
	[tilespmem:$0x1C100] =	vst v63  }
0x11: {  	s10 =	sadd.s32 $0x68, s11;
	_ =	swait.ge [sflag:s8], $0x1A000  }
0x12: {  	s9 =	sshrl.u32 s10, $0x3;
	[sflag:s8] =	ssyncset.done $0x0  }
0x13: {  	s9 =	sadd.s32 s15, s9;
	[sflag:s8] =	ssyncadd.s32 $0xFFFE6000  }
0x14: {  	[tilespmem:s1], [sflag:$0x2] =	stream.linear.gather [hbm4b:s9+s1], $0x68, $0x38;
	[tilespmem:$0x1C100] =	vst v63  }
0x15: {  	_ =	swait.ge [sflag:s3], $0x68  }
0x16: {  	s10 =	sshll.u32 s10, $0x7;
	[sflag:s3] =	ssyncset.done $0x0  }
0x17: {  	s10 =	sadd.s32 s17, s10;
	[sflag:s3] =	ssyncadd.s32 $0xFFFFFF98  }
0x18: {  	[tilespmem:s5], [sflag:$0x2] =	stream.linear.gather [hbm4b:s10+s1], $0x1A000, $0x38;
	[tilespmem:$0x1C100] =	vst v63  }
0x19: {  	_ =	swait.ge [sflag:s3], $0x1A000  }
0x1a: {  	[sflag:s3] =	ssyncset.done $0x0  }
0x1b: {  	[sflag:s3] =	ssyncadd.s32 $0xFFFE6000  }
0x1c: {  	[hbm4b:s6+s7] =	stream.indirect.scatter [tilespmem:s5], [sflag:$0x1], $0x400, s1, s7, $0xb8;
	[tilespmem:$0x1C100] =	vst v63  }
0x1d: {  	s12 =	sadd.s32 $0xD0, s11;
	_ =	swait.ge [sflag:s8], $0x1A000  }
0x1e: {  	s11 =	sshrl.u32 s12, $0x3;
	[sflag:s8] =	ssyncset.done $0x0  }
0x1f: {  	s11 =	sadd.s32 s15, s11;
	[sflag:s8] =	ssyncadd.s32 $0xFFFE6000  }
0x20: {  	[tilespmem:s1], [sflag:$0x2] =	stream.linear.gather [hbm4b:s11+s1], $0x68, $0x38;
	[tilespmem:$0x1C100] =	vst v63  }
0x21: {  	_ =	swait.ge [sflag:s3], $0x68  }
0x22: {  	s12 =	sshll.u32 s12, $0x7;
	[sflag:s3] =	ssyncset.done $0x0  }
0x23: {  	s12 =	sadd.s32 s17, s12;
	[sflag:s3] =	ssyncadd.s32 $0xFFFFFF98  }
0x24: {  	[tilespmem:s5], [sflag:$0x2] =	stream.linear.gather [hbm4b:s12+s1], $0x1A000, $0x38;
	[tilespmem:$0x1C100] =	vst v63  }
0x25: {  	_ =	swait.ge [sflag:s3], $0x1A000  }
0x26: {  	p0 =	sne.s32 s13, $0x0;
	s16 =	sshll.u32 s14, $0x3;
	[sflag:s3] =	ssyncset.done $0x0  }
0x27: {  	s18 =	ssub.s32 $0x2, s14;
	s14 =	simm.s32 @!p0 $0x2;
	[sflag:s3] =	ssyncadd.s32 $0xFFFE6000  }
0x28: {  	[hbm4b:s6+s7] =	stream.indirect.scatter [tilespmem:s5], [sflag:$0x1], $0x400, s1, s7, $0xb8;
	[tilespmem:$0x1C100] =	vst v63  }
0x29: {  	s19 =	sor.u32 $0x2700, s16;
	s16 =	simm.s32 @!p0 $0x1A080;
	_ =	swait.ge [sflag:s8], $0x1A000  }
0x2a: {  	s20 =	sshrl.u32 s18, $0x1;
	s29 =	sshrl.u32 s19, $0x3;
	[sflag:s8] =	ssyncset.done $0x0  }
0x2b: {  	s13 =	sadd.s32 s15, s29;
	s15 =	simm.s32 @!p0 $0x0;
	[sflag:s8] =	ssyncadd.s32 $0xFFFE6000  }
0x2c: {  	[tilespmem:s16], [sflag:$0x2] =	stream.linear.gather @!p0 [hbm4b:s13+s15], $0x8, $0x38;
	[tilespmem:$0x1C100] =	vst v63  }
0x2d: {  	s20 =	ssub.s32 s18, s20;
	s30 =	sshll.u32 s19, $0x7;
	_ =	swait.ge @!p0 [sflag:s14], $0x8  }
0x2e: {  	s18 =	simm.s32 @!p0 $0x1A100;
	s31 =	smax.u32 s20, $0x1;
	[sflag:s14] =	ssyncset.done @!p0 $0x0  }
0x2f: {  	s20 =	sadd.s32 $0xFFFFFFFF, s31;
	s17 =	sadd.s32 s17, s30;
	[sflag:s14] =	ssyncadd.s32 @!p0 $0xFFFFFFF8  }
0x30: {  	[tilespmem:s18], [sflag:$0x2] =	stream.linear.gather @!p0 [hbm4b:s17+s15], $0x2000, $0x38;
	[tilespmem:$0x1C100] =	vst v63  }
0x31: {  	p1 =	sne.s32 s20, $0x0;
	_ =	swait.ge @!p0 [sflag:s14], $0x2000  }
.Ltmp0:
0x32: {  	[sflag:s14] =	ssyncset.done @!p0 $0x0;
	(pc) =	sbr.rel @!p1 .LBB2_2-.Ltmp0, $4  }
0x33: {  	s21 =	simm.s32 @!p0 $0x8;
	s19 =	simm.s32 @!p0 $0x1;
	[sflag:s14] =	ssyncadd.s32 @!p0 $0xFFFFE000  }
0x34: {  	[hbm4b:s6+s21] =	stream.indirect.scatter @!p0 [tilespmem:s18], [sflag:$0x1], $0x400, s16, s21, $0xb8;
	[tilespmem:$0x1C100] =	vst v63  }
0x35: {  	_ =	swait.ge @!p0 [sflag:s19], $0x2000  }
0x36: {  	[sflag:s19] =	ssyncset.done @!p0 $0x0  }
.LBB2_1:
0x37: {  	s20 =	sadd.s32 $0xFFFFFFFF, s20;
	[sflag:s19] =	ssyncadd.s32 @!p0 $0xFFFFE000  }
0x38: {  	[tilespmem:s1], [sflag:$0x2] =	stream.linear.gather [hbm4b:s2+s1], $0x68, $0x38;
	[tilespmem:$0x1C100] =	vst v63  }
0x39: {  	p1 =	sne.s32 s20, $0x0;
	_ =	swait.ge [sflag:s3], $0x68  }
0x3a: {  	[sflag:s3] =	ssyncset.done $0x0  }
0x3b: {  	[sflag:s3] =	ssyncadd.s32 $0xFFFFFF98  }
0x3c: {  	[tilespmem:s5], [sflag:$0x2] =	stream.linear.gather [hbm4b:s4+s1], $0x1A000, $0x38;
	[tilespmem:$0x1C100] =	vst v63  }
0x3d: {  	_ =	swait.ge [sflag:s3], $0x1A000  }
0x3e: {  	[sflag:s3] =	ssyncset.done $0x0  }
0x3f: {  	[sflag:s3] =	ssyncadd.s32 $0xFFFE6000  }
0x40: {  	[hbm4b:s6+s7] =	stream.indirect.scatter [tilespmem:s5], [sflag:$0x1], $0x400, s1, s7, $0xb8;
	[tilespmem:$0x1C100] =	vst v63  }
0x41: {  	_ =	swait.ge [sflag:s8], $0x1A000  }
0x42: {  	[sflag:s8] =	ssyncset.done $0x0  }
0x43: {  	[sflag:s8] =	ssyncadd.s32 $0xFFFE6000  }
0x44: {  	[tilespmem:s1], [sflag:$0x2] =	stream.linear.gather [hbm4b:s9+s1], $0x68, $0x38;
	[tilespmem:$0x1C100] =	vst v63  }
0x45: {  	_ =	swait.ge [sflag:s3], $0x68  }
0x46: {  	[sflag:s3] =	ssyncset.done $0x0  }
0x47: {  	[sflag:s3] =	ssyncadd.s32 $0xFFFFFF98  }
0x48: {  	[tilespmem:s5], [sflag:$0x2] =	stream.linear.gather [hbm4b:s10+s1], $0x1A000, $0x38;
	[tilespmem:$0x1C100] =	vst v63  }
0x49: {  	_ =	swait.ge [sflag:s3], $0x1A000  }
0x4a: {  	[sflag:s3] =	ssyncset.done $0x0  }
0x4b: {  	[sflag:s3] =	ssyncadd.s32 $0xFFFE6000  }
0x4c: {  	[hbm4b:s6+s7] =	stream.indirect.scatter [tilespmem:s5], [sflag:$0x1], $0x400, s1, s7, $0xb8;
	[tilespmem:$0x1C100] =	vst v63  }
0x4d: {  	_ =	swait.ge [sflag:s8], $0x1A000  }
0x4e: {  	[sflag:s8] =	ssyncset.done $0x0  }
0x4f: {  	[sflag:s8] =	ssyncadd.s32 $0xFFFE6000  }
0x50: {  	[tilespmem:s1], [sflag:$0x2] =	stream.linear.gather [hbm4b:s11+s1], $0x68, $0x38;
	[tilespmem:$0x1C100] =	vst v63  }
0x51: {  	_ =	swait.ge [sflag:s3], $0x68  }
0x52: {  	[sflag:s3] =	ssyncset.done $0x0  }
0x53: {  	[sflag:s3] =	ssyncadd.s32 $0xFFFFFF98  }
0x54: {  	[tilespmem:s5], [sflag:$0x2] =	stream.linear.gather [hbm4b:s12+s1], $0x1A000, $0x38;
	[tilespmem:$0x1C100] =	vst v63  }
0x55: {  	_ =	swait.ge [sflag:s3], $0x1A000  }
0x56: {  	[sflag:s3] =	ssyncset.done $0x0  }
0x57: {  	[sflag:s3] =	ssyncadd.s32 $0xFFFE6000  }
0x58: {  	[hbm4b:s6+s7] =	stream.indirect.scatter [tilespmem:s5], [sflag:$0x1], $0x400, s1, s7, $0xb8;
	[tilespmem:$0x1C100] =	vst v63  }
0x59: {  	_ =	swait.ge [sflag:s8], $0x1A000  }
0x5a: {  	[sflag:s8] =	ssyncset.done $0x0  }
0x5b: {  	[sflag:s8] =	ssyncadd.s32 $0xFFFE6000  }
0x5c: {  	[tilespmem:s16], [sflag:$0x2] =	stream.linear.gather @!p0 [hbm4b:s13+s15], $0x8, $0x38;
	[tilespmem:$0x1C100] =	vst v63  }
0x5d: {  	_ =	swait.ge @!p0 [sflag:s14], $0x8  }
0x5e: {  	[sflag:s14] =	ssyncset.done @!p0 $0x0  }
0x5f: {  	[sflag:s14] =	ssyncadd.s32 @!p0 $0xFFFFFFF8  }
0x60: {  	[tilespmem:s18], [sflag:$0x2] =	stream.linear.gather @!p0 [hbm4b:s17+s15], $0x2000, $0x38;
	[tilespmem:$0x1C100] =	vst v63  }
0x61: {  	_ =	swait.ge @!p0 [sflag:s14], $0x2000  }
.Ltmp1:
0x62: {  	[sflag:s14] =	ssyncset.done @!p0 $0x0;
	(pc) =	sbr.rel @p1 .LBB2_1-.Ltmp1, $4  }
0x63: {  	[sflag:s14] =	ssyncadd.s32 @!p0 $0xFFFFE000  }
0x64: {  	[hbm4b:s6+s21] =	stream.indirect.scatter @!p0 [tilespmem:s18], [sflag:$0x1], $0x400, s16, s21, $0xb8;
	[tilespmem:$0x1C100] =	vst v63  }
0x65: {  	_ =	swait.ge @!p0 [sflag:s19], $0x2000  }
0x66: {  	[sflag:s19] =	ssyncset.done @!p0 $0x0  }
.LBB2_2:
0x67: {  	[sflag:s19] =	ssyncadd.s32 @!p0 $0xFFFFE000  }
0x68: {  	_ =	sfence.sel $0x180000  }
0x69: {  	[bflag:$0x0] =	sbarrier.arrive $0xFFFF  }
0x6a: {  	_ =	strace $0x90000047  }
0x6b: {  	s0 =	sadd.s32 @!p0 $0x100000, s0;
	[bflag:$0x2] =	sbarrier.arrive $0xFFFF  }
0x6c: {  	[sflag:s0] =	ssyncadd.tile.s32 @!p0 $0x1;
	_ =	shalt  }
.Lfunc_end2:
_tile_overlayer_lowered:
.L_overlay_start_2:
0x6d: {  	(tag) =	ssettag $0x2  }
0x6e: {  	s0 =	rddreg [dreg:$0x0];
	s2 =	stileid.u32  }
0x6f: {  	s1 =	rddreg [dreg:$0x1];
	p0 =	sne.s32 s2, $0x0  }
0x70: {  	s3 =	rddreg [dreg:$0x2];
	[bflag:$0x3] =	sbarrier.arrive $0xFFFF;
	s2 =	simm.s32 @!p0 $0x1C02  }
0x71: {  	[timem:s3], [sflag:s2] =	dma.local @!p0 [hbm:s0], s1  }
0x72: {  	s0 =	simm.s32 @!p0 $0x2  }
0x73: {  	_ =	swait.ge @!p0 [sflag:s0], s1  }
0x74: {  	s1 =	ssub.s32 @!p0 $0x0, s1;
	[sflag:s0] =	ssyncset.done @!p0 $0x0  }
0x75: {  	[sflag:s0] =	ssyncadd.s32 @!p0 s1  }
0x76: {  	[bflag:$0x3] =	sbarrier.arrive $0xFFFF  }
0x77: {  	_ =	shalt  }

</sc_bundles>
